<compile_context>
chip_gen: v7x
topology: tpu7x:2x2x1
jax: 0.10.2.dev20260603
libtpu: 0.0.44.dev20260713+nightly
codegen_flags: <defaults>
</compile_context>

<pallas_src>
import functools

import jax
import jax.numpy as jnp
from jax import lax
from jax.experimental import pallas as pl
from jax.experimental.pallas import tpu as pltpu
from jax.experimental.pallas import tpu_sc as plsc

_B = 16384
_D = 3
_NC, _NS, _L = 2, 16, 16
_NW = _NC * _NS
_BPW = _B // _NW
_STEPS = _BPW // _L

_U_ROWS = 1500
_I_ROWS = 2000
_IT_BASE = 4504
_CHUNK = 664
_TAB = _CHUNK * _NS
_TAB_OFF = 2 * _B

_mesh = plsc.VectorSubcoreMesh(core_axis_name="c", subcore_axis_name="s")


@functools.partial(
    pl.kernel,
    out_type=jax.ShapeDtypeStruct((_B,), jnp.float32),
    mesh=_mesh,
    compiler_params=pltpu.CompilerParams(needs_layout_passes=False,
                                         use_tc_tiling_on_sc=False),
    scratch_types=[
        pltpu.VMEM((_BPW,), jnp.float32),
        pltpu.VMEM((_BPW,), jnp.float32),
        pltpu.VMEM_SHARED((_TAB,), jnp.float32),
        pltpu.VMEM((_TAB,), jnp.float32),
        pltpu.VMEM((_BPW,), jnp.float32),
        pltpu.SemaphoreType.DMA,
    ],
)
def _mf_kernel(allin_hbm, out_hbm,
               uidx_v, iidx_v, tabs_sh, tabs_v, out_v, sem):
    s = lax.axis_index("s")
    wid = s * _NC + lax.axis_index("c")
    base = wid * _BPW

    cps = [
        pltpu.async_copy(allin_hbm.at[pl.ds(base, _BPW)], uidx_v, sem),
        pltpu.async_copy(allin_hbm.at[pl.ds(_B + base, _BPW)], iidx_v, sem),
    ]

    chunk = s * _CHUNK
    pltpu.sync_copy(allin_hbm.at[pl.ds(_TAB_OFF + chunk, _CHUNK)],
                    tabs_sh.at[pl.ds(chunk, _CHUNK)])
    plsc.subcore_barrier()
    pltpu.sync_copy(tabs_sh, tabs_v)
    for cp in cps:
        cp.wait()

    for step in range(_STEPS):
        off = step * _L
        iu = plsc.bitcast(uidx_v[pl.ds(off, _L)], jnp.int32) * _D
        iv = plsc.bitcast(iidx_v[pl.ds(off, _L)], jnp.int32) * _D + _IT_BASE
        acc = plsc.load_gather(tabs_v, [iu]) * plsc.load_gather(tabs_v, [iv])
        for d in range(1, _D):
            acc = acc + (plsc.load_gather(tabs_v, [iu + d]) *
                         plsc.load_gather(tabs_v, [iv + d]))
        out_v[pl.ds(off, _L)] = acc

    pltpu.sync_copy(out_v, out_hbm.at[pl.ds(base, _BPW)])


def kernel(data, user_factors, item_factors):
    dflat = lax.bitcast_convert_type(data.astype(jnp.int32),
                                     jnp.float32).reshape(-1)
    allin = jnp.concatenate([
        dflat,
        user_factors.reshape(-1),
        jnp.zeros((_IT_BASE - _U_ROWS * _D,), jnp.float32),
        item_factors.reshape(-1),
        jnp.zeros((_TAB - _IT_BASE - _I_ROWS * _D,), jnp.float32),
    ])
    return _mf_kernel(allin)

# --- scband reference (transcript-rebuilt; emitter-appended) ---
"""Pipeline reference for scband-matrix-factorization-62654982914097 (READ-ONLY COPY).

The authoritative reference and input builder live on the scoring server;
editing this copy changes nothing except your own understanding.
"""

import jax, jax.numpy as jnp
import numpy as np


def setup_inputs(seed: int = 0) -> dict:
    key = jax.random.key(seed)
    k1, k2, k3 = jax.random.split(key, 3)
    data = jax.random.randint(k1, (2, 16384), 0, 1500, dtype=jnp.int64) if jax.config.jax_enable_x64 else jax.random.randint(k1, (2, 16384), 0, 1500, dtype=jnp.int32)
    user_factors = jax.random.normal(k2, (1500, 3), dtype=jnp.float32)
    item_factors = jax.random.normal(k3, (2000, 3), dtype=jnp.float32)
    return {"data": data, "user_factors": user_factors, "item_factors": item_factors}


def reference(data, user_factors, item_factors):
    user = data[0]
    item = data[1]
    u = jnp.take(user_factors, user, axis=0)
    v = jnp.take(item_factors, item, axis=0)
    return (u * v).sum(1)

if __name__ == "__main__":
    import jax
    _d = setup_inputs()
    print(jax.jit(kernel)(*tuple(_d.values())))

</pallas_src>

<mosaic_0001>
#map = affine_map<(d0, d1) -> (0)>
module attributes {stable_mosaic.version = 14 : i64} {
  func.func @_mf_kernel(%arg0: i32, %arg1: i32, %arg2: memref<43392xf32, #tpu.memory_space<hbm>>, %arg3: memref<16384xf32, #tpu.memory_space<hbm>>, %arg4: memref<512xf32, #tpu.memory_space<vmem>>, %arg5: memref<512xf32, #tpu.memory_space<vmem>>, %arg6: memref<10624xf32, #tpu.memory_space<vmem_shared>>, %arg7: memref<10624xf32, #tpu.memory_space<vmem>>, %arg8: memref<512xf32, #tpu.memory_space<vmem>>, %arg9: memref<!tpu.dma_semaphore, #tpu.memory_space<semaphore_mem>>) attributes {dimension_semantics = [#tpu.dimension_semantics<core_parallel>, #tpu.dimension_semantics<subcore_parallel>], iteration_bounds = array<i64: 2, 16>, scalar_prefetch = 0 : i64, scratch_operands = 6 : i64, tpu.core_type = #tpu.core_type<sc_vector_subcore>, window_params = [{transform_indices = #map}, {transform_indices = #map}]} {
    %mul3A = arith.constant 2 : i32
    %mul3A_0 = arith.muli %arg1, %mul3A : i32
    %add3A = arith.addi %mul3A_0, %arg0 : i32
    %mul3A_1 = arith.constant 512 : i32
    %mul3A_2 = arith.muli %add3A, %mul3A_1 : i32
    %dma_start3A = tpu.memref_slice %arg2[%mul3A_2] : memref<43392xf32, #tpu.memory_space<hbm>> -> memref<512xf32, #tpu.memory_space<hbm>>
    %dma_start3A_3 = tpu.memref_slice %arg2[%mul3A_2] : memref<43392xf32, #tpu.memory_space<hbm>> -> memref<512xf32, #tpu.memory_space<hbm>>
    tpu.enqueue_dma source(%dma_start3A_3 : memref<512xf32, #tpu.memory_space<hbm>>) target(%arg4 : memref<512xf32, #tpu.memory_space<vmem>>) target_semaphore(%arg9 : memref<!tpu.dma_semaphore, #tpu.memory_space<semaphore_mem>>)
    %add3A_4 = arith.constant 16384 : i32
    %add3A_5 = arith.addi %add3A_4, %mul3A_2 : i32
    %dma_start3A_6 = tpu.memref_slice %arg2[%add3A_5] : memref<43392xf32, #tpu.memory_space<hbm>> -> memref<512xf32, #tpu.memory_space<hbm>>
    %dma_start3A_7 = tpu.memref_slice %arg2[%add3A_5] : memref<43392xf32, #tpu.memory_space<hbm>> -> memref<512xf32, #tpu.memory_space<hbm>>
    tpu.enqueue_dma source(%dma_start3A_7 : memref<512xf32, #tpu.memory_space<hbm>>) target(%arg5 : memref<512xf32, #tpu.memory_space<vmem>>) target_semaphore(%arg9 : memref<!tpu.dma_semaphore, #tpu.memory_space<semaphore_mem>>)
    %mul3A_8 = arith.constant 664 : i32
    %mul3A_9 = arith.muli %arg1, %mul3A_8 : i32
    %add3A_10 = arith.constant 32768 : i32
    %add3A_11 = arith.addi %add3A_10, %mul3A_9 : i32
    "tpu.region"() ({
      %run_scoped3A = tpu.sem_alloc : memref<!tpu.dma_semaphore, #tpu.memory_space<semaphore_mem>>
      %dma_start3A_1291 = tpu.memref_slice %arg6[%mul3A_9] : memref<10624xf32, #tpu.memory_space<vmem_shared>> -> memref<664xf32, #tpu.memory_space<vmem_shared>>
      %dma_start3A_1292 = tpu.memref_slice %arg2[%add3A_11] : memref<43392xf32, #tpu.memory_space<hbm>> -> memref<664xf32, #tpu.memory_space<hbm>>
      tpu.enqueue_dma source(%dma_start3A_1292 : memref<664xf32, #tpu.memory_space<hbm>>) target(%dma_start3A_1291 : memref<664xf32, #tpu.memory_space<vmem_shared>>) target_semaphore(%run_scoped3A : memref<!tpu.dma_semaphore, #tpu.memory_space<semaphore_mem>>)
      %dma_wait3A_1293 = tpu.memref_slice %arg6[%mul3A_9] : memref<10624xf32, #tpu.memory_space<vmem_shared>> -> memref<664xf32, #tpu.memory_space<vmem_shared>>
      %dma_wait3A_1294 = tpu.memref_slice %arg2[%add3A_11] : memref<43392xf32, #tpu.memory_space<hbm>> -> memref<664xf32, #tpu.memory_space<hbm>>
      tpu.wait_dma2 semaphore(%run_scoped3A : memref<!tpu.dma_semaphore, #tpu.memory_space<semaphore_mem>>) src(%dma_wait3A_1294 : memref<664xf32, #tpu.memory_space<hbm>>) dst(%dma_wait3A_1293 : memref<664xf32, #tpu.memory_space<vmem_shared>>)
      tpu.yield
    }) : () -> ()
    %barrier3A = arith.constant 0 : index
    tpu.barrier barrier_id(%barrier3A)
    "tpu.region"() ({
      %run_scoped3A = tpu.sem_alloc : memref<!tpu.dma_semaphore, #tpu.memory_space<semaphore_mem>>
      tpu.enqueue_dma source(%arg6 : memref<10624xf32, #tpu.memory_space<vmem_shared>>) target(%arg7 : memref<10624xf32, #tpu.memory_space<vmem>>) target_semaphore(%run_scoped3A : memref<!tpu.dma_semaphore, #tpu.memory_space<semaphore_mem>>)
      tpu.wait_dma2 semaphore(%run_scoped3A : memref<!tpu.dma_semaphore, #tpu.memory_space<semaphore_mem>>) src(%arg6 : memref<10624xf32, #tpu.memory_space<vmem_shared>>) dst(%arg7 : memref<10624xf32, #tpu.memory_space<vmem>>)
      tpu.yield
    }) : () -> ()
    %dma_wait3A = tpu.memref_slice %arg2[%mul3A_2] : memref<43392xf32, #tpu.memory_space<hbm>> -> memref<512xf32, #tpu.memory_space<hbm>>
    %dma_wait3A_12 = tpu.memref_slice %arg2[%mul3A_2] : memref<43392xf32, #tpu.memory_space<hbm>> -> memref<512xf32, #tpu.memory_space<hbm>>
    tpu.wait_dma2 semaphore(%arg9 : memref<!tpu.dma_semaphore, #tpu.memory_space<semaphore_mem>>) src(%dma_wait3A_12 : memref<512xf32, #tpu.memory_space<hbm>>) dst(%arg4 : memref<512xf32, #tpu.memory_space<vmem>>)
    %dma_wait3A_13 = tpu.memref_slice %arg2[%add3A_5] : memref<43392xf32, #tpu.memory_space<hbm>> -> memref<512xf32, #tpu.memory_space<hbm>>
    %dma_wait3A_14 = tpu.memref_slice %arg2[%add3A_5] : memref<43392xf32, #tpu.memory_space<hbm>> -> memref<512xf32, #tpu.memory_space<hbm>>
    tpu.wait_dma2 semaphore(%arg9 : memref<!tpu.dma_semaphore, #tpu.memory_space<semaphore_mem>>) src(%dma_wait3A_14 : memref<512xf32, #tpu.memory_space<hbm>>) dst(%arg5 : memref<512xf32, #tpu.memory_space<vmem>>)
    %get3A = arith.constant 0 : index
    %get3A_15 = tpu.vector_load %arg4[%get3A] {strides = array<i32>} : memref<512xf32, #tpu.memory_space<vmem>>, vector<16xf32>,
    %bitcast3A = vector.bitcast %get3A_15 : vector<16xf32> to vector<16xi32>
    %mul3A_16 = arith.constant 3 : i32
    %mul3A_17 = vector.broadcast %mul3A_16 : i32 to vector<16xi32>
    %mul3A_18 = arith.muli %bitcast3A, %mul3A_17 : vector<16xi32>
    %get3A_19 = arith.constant 0 : index
    %get3A_20 = tpu.vector_load %arg5[%get3A_19] {strides = array<i32>} : memref<512xf32, #tpu.memory_space<vmem>>, vector<16xf32>,
    %bitcast3A_21 = vector.bitcast %get3A_20 : vector<16xf32> to vector<16xi32>
    %mul3A_22 = arith.constant 3 : i32
    %mul3A_23 = vector.broadcast %mul3A_22 : i32 to vector<16xi32>
    %mul3A_24 = arith.muli %bitcast3A_21, %mul3A_23 : vector<16xi32>
    %add3A_25 = arith.constant 4504 : i32
    %add3A_26 = vector.broadcast %add3A_25 : i32 to vector<16xi32>
    %add3A_27 = arith.addi %mul3A_24, %add3A_26 : vector<16xi32>
    %gather3A = tpu.vector_load_idx %arg7[%mul3A_18] : memref<10624xf32, #tpu.memory_space<vmem>>[vector<16xi32>], vector<16xf32>,
    %gather3A_28 = tpu.vector_load_idx %arg7[%add3A_27] : memref<10624xf32, #tpu.memory_space<vmem>>[vector<16xi32>], vector<16xf32>,
    %mul3A_29 = arith.mulf %gather3A, %gather3A_28 : vector<16xf32>
    %add3A_30 = arith.constant 1 : i32
    %add3A_31 = vector.broadcast %add3A_30 : i32 to vector<16xi32>
    %add3A_32 = arith.addi %mul3A_18, %add3A_31 : vector<16xi32>
    %gather3A_33 = tpu.vector_load_idx %arg7[%add3A_32] : memref<10624xf32, #tpu.memory_space<vmem>>[vector<16xi32>], vector<16xf32>,
    %add3A_34 = arith.constant 1 : i32
    %add3A_35 = vector.broadcast %add3A_34 : i32 to vector<16xi32>
    %add3A_36 = arith.addi %add3A_27, %add3A_35 : vector<16xi32>
    %gather3A_37 = tpu.vector_load_idx %arg7[%add3A_36] : memref<10624xf32, #tpu.memory_space<vmem>>[vector<16xi32>], vector<16xf32>,
    %mul3A_38 = arith.mulf %gather3A_33, %gather3A_37 : vector<16xf32>
    %add3A_39 = arith.addf %mul3A_29, %mul3A_38 : vector<16xf32>
    %add3A_40 = arith.constant 2 : i32
    %add3A_41 = vector.broadcast %add3A_40 : i32 to vector<16xi32>
    %add3A_42 = arith.addi %mul3A_18, %add3A_41 : vector<16xi32>
    %gather3A_43 = tpu.vector_load_idx %arg7[%add3A_42] : memref<10624xf32, #tpu.memory_space<vmem>>[vector<16xi32>], vector<16xf32>,
    %add3A_44 = arith.constant 2 : i32
    %add3A_45 = vector.broadcast %add3A_44 : i32 to vector<16xi32>
    %add3A_46 = arith.addi %add3A_27, %add3A_45 : vector<16xi32>
    %gather3A_47 = tpu.vector_load_idx %arg7[%add3A_46] : memref<10624xf32, #tpu.memory_space<vmem>>[vector<16xi32>], vector<16xf32>,
    %mul3A_48 = arith.mulf %gather3A_43, %gather3A_47 : vector<16xf32>
    %add3A_49 = arith.addf %add3A_39, %mul3A_48 : vector<16xf32>
    %swap3A = arith.constant 0 : index
    %swap3A_50 = tpu.vector_load %arg8[%swap3A] {strides = array<i32>} : memref<512xf32, #tpu.memory_space<vmem>>, vector<16xf32>,
    tpu.vector_store %arg8[%swap3A], %add3A_49 {strides = array<i32>} : memref<512xf32, #tpu.memory_space<vmem>>, vector<16xf32>,
    %get3A_51 = arith.constant 16 : index
    %get3A_52 = tpu.vector_load %arg4[%get3A_51] {strides = array<i32>} : memref<512xf32, #tpu.memory_space<vmem>>, vector<16xf32>,
    %bitcast3A_53 = vector.bitcast %get3A_52 : vector<16xf32> to vector<16xi32>
    %mul3A_54 = arith.constant 3 : i32
    %mul3A_55 = vector.broadcast %mul3A_54 : i32 to vector<16xi32>
    %mul3A_56 = arith.muli %bitcast3A_53, %mul3A_55 : vector<16xi32>
    %get3A_57 = arith.constant 16 : index
    %get3A_58 = tpu.vector_load %arg5[%get3A_57] {strides = array<i32>} : memref<512xf32, #tpu.memory_space<vmem>>, vector<16xf32>,
    %bitcast3A_59 = vector.bitcast %get3A_58 : vector<16xf32> to vector<16xi32>
    %mul3A_60 = arith.constant 3 : i32
    %mul3A_61 = vector.broadcast %mul3A_60 : i32 to vector<16xi32>
    %mul3A_62 = arith.muli %bitcast3A_59, %mul3A_61 : vector<16xi32>
    %add3A_63 = arith.constant 4504 : i32
    %add3A_64 = vector.broadcast %add3A_63 : i32 to vector<16xi32>
    %add3A_65 = arith.addi %mul3A_62, %add3A_64 : vector<16xi32>
    %gather3A_66 = tpu.vector_load_idx %arg7[%mul3A_56] : memref<10624xf32, #tpu.memory_space<vmem>>[vector<16xi32>], vector<16xf32>,
    %gather3A_67 = tpu.vector_load_idx %arg7[%add3A_65] : memref<10624xf32, #tpu.memory_space<vmem>>[vector<16xi32>], vector<16xf32>,
    %mul3A_68 = arith.mulf %gather3A_66, %gather3A_67 : vector<16xf32>
    %add3A_69 = arith.constant 1 : i32
    %add3A_70 = vector.broadcast %add3A_69 : i32 to vector<16xi32>
    %add3A_71 = arith.addi %mul3A_56, %add3A_70 : vector<16xi32>
    %gather3A_72 = tpu.vector_load_idx %arg7[%add3A_71] : memref<10624xf32, #tpu.memory_space<vmem>>[vector<16xi32>], vector<16xf32>,
    %add3A_73 = arith.constant 1 : i32
    %add3A_74 = vector.broadcast %add3A_73 : i32 to vector<16xi32>
    %add3A_75 = arith.addi %add3A_65, %add3A_74 : vector<16xi32>
    %gather3A_76 = tpu.vector_load_idx %arg7[%add3A_75] : memref<10624xf32, #tpu.memory_space<vmem>>[vector<16xi32>], vector<16xf32>,
    %mul3A_77 = arith.mulf %gather3A_72, %gather3A_76 : vector<16xf32>
    %add3A_78 = arith.addf %mul3A_68, %mul3A_77 : vector<16xf32>
    %add3A_79 = arith.constant 2 : i32
    %add3A_80 = vector.broadcast %add3A_79 : i32 to vector<16xi32>
    %add3A_81 = arith.addi %mul3A_56, %add3A_80 : vector<16xi32>
    %gather3A_82 = tpu.vector_load_idx %arg7[%add3A_81] : memref<10624xf32, #tpu.memory_space<vmem>>[vector<16xi32>], vector<16xf32>,
    %add3A_83 = arith.constant 2 : i32
    %add3A_84 = vector.broadcast %add3A_83 : i32 to vector<16xi32>
    %add3A_85 = arith.addi %add3A_65, %add3A_84 : vector<16xi32>
    %gather3A_86 = tpu.vector_load_idx %arg7[%add3A_85] : memref<10624xf32, #tpu.memory_space<vmem>>[vector<16xi32>], vector<16xf32>,
    %mul3A_87 = arith.mulf %gather3A_82, %gather3A_86 : vector<16xf32>
    %add3A_88 = arith.addf %add3A_78, %mul3A_87 : vector<16xf32>
    %swap3A_89 = arith.constant 16 : index
    %swap3A_90 = tpu.vector_load %arg8[%swap3A_89] {strides = array<i32>} : memref<512xf32, #tpu.memory_space<vmem>>, vector<16xf32>,
    tpu.vector_store %arg8[%swap3A_89], %add3A_88 {strides = array<i32>} : memref<512xf32, #tpu.memory_space<vmem>>, vector<16xf32>,
    %get3A_91 = arith.constant 32 : index
    %get3A_92 = tpu.vector_load %arg4[%get3A_91] {strides = array<i32>} : memref<512xf32, #tpu.memory_space<vmem>>, vector<16xf32>,
    %bitcast3A_93 = vector.bitcast %get3A_92 : vector<16xf32> to vector<16xi32>
    %mul3A_94 = arith.constant 3 : i32
    %mul3A_95 = vector.broadcast %mul3A_94 : i32 to vector<16xi32>
    %mul3A_96 = arith.muli %bitcast3A_93, %mul3A_95 : vector<16xi32>
    %get3A_97 = arith.constant 32 : index
    %get3A_98 = tpu.vector_load %arg5[%get3A_97] {strides = array<i32>} : memref<512xf32, #tpu.memory_space<vmem>>, vector<16xf32>,
    %bitcast3A_99 = vector.bitcast %get3A_98 : vector<16xf32> to vector<16xi32>
    %mul3A_100 = arith.constant 3 : i32
    %mul3A_101 = vector.broadcast %mul3A_100 : i32 to vector<16xi32>
    %mul3A_102 = arith.muli %bitcast3A_99, %mul3A_101 : vector<16xi32>
    %add3A_103 = arith.constant 4504 : i32
    %add3A_104 = vector.broadcast %add3A_103 : i32 to vector<16xi32>
    %add3A_105 = arith.addi %mul3A_102, %add3A_104 : vector<16xi32>
    %gather3A_106 = tpu.vector_load_idx %arg7[%mul3A_96] : memref<10624xf32, #tpu.memory_space<vmem>>[vector<16xi32>], vector<16xf32>,
    %gather3A_107 = tpu.vector_load_idx %arg7[%add3A_105] : memref<10624xf32, #tpu.memory_space<vmem>>[vector<16xi32>], vector<16xf32>,
    %mul3A_108 = arith.mulf %gather3A_106, %gather3A_107 : vector<16xf32>
    %add3A_109 = arith.constant 1 : i32
    %add3A_110 = vector.broadcast %add3A_109 : i32 to vector<16xi32>
    %add3A_111 = arith.addi %mul3A_96, %add3A_110 : vector<16xi32>
    %gather3A_112 = tpu.vector_load_idx %arg7[%add3A_111] : memref<10624xf32, #tpu.memory_space<vmem>>[vector<16xi32>], vector<16xf32>,
    %add3A_113 = arith.constant 1 : i32
    %add3A_114 = vector.broadcast %add3A_113 : i32 to vector<16xi32>
    %add3A_115 = arith.addi %add3A_105, %add3A_114 : vector<16xi32>
    %gather3A_116 = tpu.vector_load_idx %arg7[%add3A_115] : memref<10624xf32, #tpu.memory_space<vmem>>[vector<16xi32>], vector<16xf32>,
    %mul3A_117 = arith.mulf %gather3A_112, %gather3A_116 : vector<16xf32>
    %add3A_118 = arith.addf %mul3A_108, %mul3A_117 : vector<16xf32>
    %add3A_119 = arith.constant 2 : i32
    %add3A_120 = vector.broadcast %add3A_119 : i32 to vector<16xi32>
    %add3A_121 = arith.addi %mul3A_96, %add3A_120 : vector<16xi32>
    %gather3A_122 = tpu.vector_load_idx %arg7[%add3A_121] : memref<10624xf32, #tpu.memory_space<vmem>>[vector<16xi32>], vector<16xf32>,
    %add3A_123 = arith.constant 2 : i32
    %add3A_124 = vector.broadcast %add3A_123 : i32 to vector<16xi32>
    %add3A_125 = arith.addi %add3A_105, %add3A_124 : vector<16xi32>
    %gather3A_126 = tpu.vector_load_idx %arg7[%add3A_125] : memref<10624xf32, #tpu.memory_space<vmem>>[vector<16xi32>], vector<16xf32>,
    %mul3A_127 = arith.mulf %gather3A_122, %gather3A_126 : vector<16xf32>
    %add3A_128 = arith.addf %add3A_118, %mul3A_127 : vector<16xf32>
    %swap3A_129 = arith.constant 32 : index
    %swap3A_130 = tpu.vector_load %arg8[%swap3A_129] {strides = array<i32>} : memref<512xf32, #tpu.memory_space<vmem>>, vector<16xf32>,
    tpu.vector_store %arg8[%swap3A_129], %add3A_128 {strides = array<i32>} : memref<512xf32, #tpu.memory_space<vmem>>, vector<16xf32>,
    %get3A_131 = arith.constant 48 : index
    %get3A_132 = tpu.vector_load %arg4[%get3A_131] {strides = array<i32>} : memref<512xf32, #tpu.memory_space<vmem>>, vector<16xf32>,
    %bitcast3A_133 = vector.bitcast %get3A_132 : vector<16xf32> to vector<16xi32>
    %mul3A_134 = arith.constant 3 : i32
    %mul3A_135 = vector.broadcast %mul3A_134 : i32 to vector<16xi32>
    %mul3A_136 = arith.muli %bitcast3A_133, %mul3A_135 : vector<16xi32>
    %get3A_137 = arith.constant 48 : index
    %get3A_138 = tpu.vector_load %arg5[%get3A_137] {strides = array<i32>} : memref<512xf32, #tpu.memory_space<vmem>>, vector<16xf32>,
    %bitcast3A_139 = vector.bitcast %get3A_138 : vector<16xf32> to vector<16xi32>
    %mul3A_140 = arith.constant 3 : i32
    %mul3A_141 = vector.broadcast %mul3A_140 : i32 to vector<16xi32>
    %mul3A_142 = arith.muli %bitcast3A_139, %mul3A_141 : vector<16xi32>
    %add3A_143 = arith.constant 4504 : i32
    %add3A_144 = vector.broadcast %add3A_143 : i32 to vector<16xi32>
    %add3A_145 = arith.addi %mul3A_142, %add3A_144 : vector<16xi32>
    %gather3A_146 = tpu.vector_load_idx %arg7[%mul3A_136] : memref<10624xf32, #tpu.memory_space<vmem>>[vector<16xi32>], vector<16xf32>,
    %gather3A_147 = tpu.vector_load_idx %arg7[%add3A_145] : memref<10624xf32, #tpu.memory_space<vmem>>[vector<16xi32>], vector<16xf32>,
    %mul3A_148 = arith.mulf %gather3A_146, %gather3A_147 : vector<16xf32>
    %add3A_149 = arith.constant 1 : i32
    %add3A_150 = vector.broadcast %add3A_149 : i32 to vector<16xi32>
    %add3A_151 = arith.addi %mul3A_136, %add3A_150 : vector<16xi32>
    %gather3A_152 = tpu.vector_load_idx %arg7[%add3A_151] : memref<10624xf32, #tpu.memory_space<vmem>>[vector<16xi32>], vector<16xf32>,
    %add3A_153 = arith.constant 1 : i32
    %add3A_154 = vector.broadcast %add3A_153 : i32 to vector<16xi32>
    %add3A_155 = arith.addi %add3A_145, %add3A_154 : vector<16xi32>
    %gather3A_156 = tpu.vector_load_idx %arg7[%add3A_155] : memref<10624xf32, #tpu.memory_space<vmem>>[vector<16xi32>], vector<16xf32>,
    %mul3A_157 = arith.mulf %gather3A_152, %gather3A_156 : vector<16xf32>
    %add3A_158 = arith.addf %mul3A_148, %mul3A_157 : vector<16xf32>
    %add3A_159 = arith.constant 2 : i32
    %add3A_160 = vector.broadcast %add3A_159 : i32 to vector<16xi32>
    %add3A_161 = arith.addi %mul3A_136, %add3A_160 : vector<16xi32>
    %gather3A_162 = tpu.vector_load_idx %arg7[%add3A_161] : memref<10624xf32, #tpu.memory_space<vmem>>[vector<16xi32>], vector<16xf32>,
    %add3A_163 = arith.constant 2 : i32
    %add3A_164 = vector.broadcast %add3A_163 : i32 to vector<16xi32>
    %add3A_165 = arith.addi %add3A_145, %add3A_164 : vector<16xi32>
    %gather3A_166 = tpu.vector_load_idx %arg7[%add3A_165] : memref<10624xf32, #tpu.memory_space<vmem>>[vector<16xi32>], vector<16xf32>,
    %mul3A_167 = arith.mulf %gather3A_162, %gather3A_166 : vector<16xf32>
    %add3A_168 = arith.addf %add3A_158, %mul3A_167 : vector<16xf32>
    %swap3A_169 = arith.constant 48 : index
    %swap3A_170 = tpu.vector_load %arg8[%swap3A_169] {strides = array<i32>} : memref<512xf32, #tpu.memory_space<vmem>>, vector<16xf32>,
    tpu.vector_store %arg8[%swap3A_169], %add3A_168 {strides = array<i32>} : memref<512xf32, #tpu.memory_space<vmem>>, vector<16xf32>,
    %get3A_171 = arith.constant 64 : index
    %get3A_172 = tpu.vector_load %arg4[%get3A_171] {strides = array<i32>} : memref<512xf32, #tpu.memory_space<vmem>>, vector<16xf32>,
    %bitcast3A_173 = vector.bitcast %get3A_172 : vector<16xf32> to vector<16xi32>
    %mul3A_174 = arith.constant 3 : i32
    %mul3A_175 = vector.broadcast %mul3A_174 : i32 to vector<16xi32>
    %mul3A_176 = arith.muli %bitcast3A_173, %mul3A_175 : vector<16xi32>
    %get3A_177 = arith.constant 64 : index
    %get3A_178 = tpu.vector_load %arg5[%get3A_177] {strides = array<i32>} : memref<512xf32, #tpu.memory_space<vmem>>, vector<16xf32>,
    %bitcast3A_179 = vector.bitcast %get3A_178 : vector<16xf32> to vector<16xi32>
    %mul3A_180 = arith.constant 3 : i32
    %mul3A_181 = vector.broadcast %mul3A_180 : i32 to vector<16xi32>
    %mul3A_182 = arith.muli %bitcast3A_179, %mul3A_181 : vector<16xi32>
    %add3A_183 = arith.constant 4504 : i32
    %add3A_184 = vector.broadcast %add3A_183 : i32 to vector<16xi32>
    %add3A_185 = arith.addi %mul3A_182, %add3A_184 : vector<16xi32>
    %gather3A_186 = tpu.vector_load_idx %arg7[%mul3A_176] : memref<10624xf32, #tpu.memory_space<vmem>>[vector<16xi32>], vector<16xf32>,
    %gather3A_187 = tpu.vector_load_idx %arg7[%add3A_185] : memref<10624xf32, #tpu.memory_space<vmem>>[vector<16xi32>], vector<16xf32>,
    %mul3A_188 = arith.mulf %gather3A_186, %gather3A_187 : vector<16xf32>
    %add3A_189 = arith.constant 1 : i32
    %add3A_190 = vector.broadcast %add3A_189 : i32 to vector<16xi32>
    %add3A_191 = arith.addi %mul3A_176, %add3A_190 : vector<16xi32>
    %gather3A_192 = tpu.vector_load_idx %arg7[%add3A_191] : memref<10624xf32, #tpu.memory_space<vmem>>[vector<16xi32>], vector<16xf32>,
    %add3A_193 = arith.constant 1 : i32
    %add3A_194 = vector.broadcast %add3A_193 : i32 to vector<16xi32>
    %add3A_195 = arith.addi %add3A_185, %add3A_194 : vector<16xi32>
    %gather3A_196 = tpu.vector_load_idx %arg7[%add3A_195] : memref<10624xf32, #tpu.memory_space<vmem>>[vector<16xi32>], vector<16xf32>,
    %mul3A_197 = arith.mulf %gather3A_192, %gather3A_196 : vector<16xf32>
    %add3A_198 = arith.addf %mul3A_188, %mul3A_197 : vector<16xf32>
    %add3A_199 = arith.constant 2 : i32
    %add3A_200 = vector.broadcast %add3A_199 : i32 to vector<16xi32>
    %add3A_201 = arith.addi %mul3A_176, %add3A_200 : vector<16xi32>
    %gather3A_202 = tpu.vector_load_idx %arg7[%add3A_201] : memref<10624xf32, #tpu.memory_space<vmem>>[vector<16xi32>], vector<16xf32>,
    %add3A_203 = arith.constant 2 : i32
    %add3A_204 = vector.broadcast %add3A_203 : i32 to vector<16xi32>
    %add3A_205 = arith.addi %add3A_185, %add3A_204 : vector<16xi32>
    %gather3A_206 = tpu.vector_load_idx %arg7[%add3A_205] : memref<10624xf32, #tpu.memory_space<vmem>>[vector<16xi32>], vector<16xf32>,
    %mul3A_207 = arith.mulf %gather3A_202, %gather3A_206 : vector<16xf32>
    %add3A_208 = arith.addf %add3A_198, %mul3A_207 : vector<16xf32>
    %swap3A_209 = arith.constant 64 : index
    %swap3A_210 = tpu.vector_load %arg8[%swap3A_209] {strides = array<i32>} : memref<512xf32, #tpu.memory_space<vmem>>, vector<16xf32>,
    tpu.vector_store %arg8[%swap3A_209], %add3A_208 {strides = array<i32>} : memref<512xf32, #tpu.memory_space<vmem>>, vector<16xf32>,
    %get3A_211 = arith.constant 80 : index
    %get3A_212 = tpu.vector_load %arg4[%get3A_211] {strides = array<i32>} : memref<512xf32, #tpu.memory_space<vmem>>, vector<16xf32>,
    %bitcast3A_213 = vector.bitcast %get3A_212 : vector<16xf32> to vector<16xi32>
    %mul3A_214 = arith.constant 3 : i32
    %mul3A_215 = vector.broadcast %mul3A_214 : i32 to vector<16xi32>
    %mul3A_216 = arith.muli %bitcast3A_213, %mul3A_215 : vector<16xi32>
    %get3A_217 = arith.constant 80 : index
    %get3A_218 = tpu.vector_load %arg5[%get3A_217] {strides = array<i32>} : memref<512xf32, #tpu.memory_space<vmem>>, vector<16xf32>,
    %bitcast3A_219 = vector.bitcast %get3A_218 : vector<16xf32> to vector<16xi32>
    %mul3A_220 = arith.constant 3 : i32
    %mul3A_221 = vector.broadcast %mul3A_220 : i32 to vector<16xi32>
    %mul3A_222 = arith.muli %bitcast3A_219, %mul3A_221 : vector<16xi32>
    %add3A_223 = arith.constant 4504 : i32
    %add3A_224 = vector.broadcast %add3A_223 : i32 to vector<16xi32>
    %add3A_225 = arith.addi %mul3A_222, %add3A_224 : vector<16xi32>
    %gather3A_226 = tpu.vector_load_idx %arg7[%mul3A_216] : memref<10624xf32, #tpu.memory_space<vmem>>[vector<16xi32>], vector<16xf32>,
    %gather3A_227 = tpu.vector_load_idx %arg7[%add3A_225] : memref<10624xf32, #tpu.memory_space<vmem>>[vector<16xi32>], vector<16xf32>,
    %mul3A_228 = arith.mulf %gather3A_226, %gather3A_227 : vector<16xf32>
    %add3A_229 = arith.constant 1 : i32
    %add3A_230 = vector.broadcast %add3A_229 : i32 to vector<16xi32>
    %add3A_231 = arith.addi %mul3A_216, %add3A_230 : vector<16xi32>
    %gather3A_232 = tpu.vector_load_idx %arg7[%add3A_231] : memref<10624xf32, #tpu.memory_space<vmem>>[vector<16xi32>], vector<16xf32>,
    %add3A_233 = arith.constant 1 : i32
    %add3A_234 = vector.broadcast %add3A_233 : i32 to vector<16xi32>
    %add3A_235 = arith.addi %add3A_225, %add3A_234 : vector<16xi32>
    %gather3A_236 = tpu.vector_load_idx %arg7[%add3A_235] : memref<10624xf32, #tpu.memory_space<vmem>>[vector<16xi32>], vector<16xf32>,
    %mul3A_237 = arith.mulf %gather3A_232, %gather3A_236 : vector<16xf32>
    %add3A_238 = arith.addf %mul3A_228, %mul3A_237 : vector<16xf32>
    %add3A_239 = arith.constant 2 : i32
    %add3A_240 = vector.broadcast %add3A_239 : i32 to vector<16xi32>
    %add3A_241 = arith.addi %mul3A_216, %add3A_240 : vector<16xi32>
    %gather3A_242 = tpu.vector_load_idx %arg7[%add3A_241] : memref<10624xf32, #tpu.memory_space<vmem>>[vector<16xi32>], vector<16xf32>,
    %add3A_243 = arith.constant 2 : i32
    %add3A_244 = vector.broadcast %add3A_243 : i32 to vector<16xi32>
    %add3A_245 = arith.addi %add3A_225, %add3A_244 : vector<16xi32>
    %gather3A_246 = tpu.vector_load_idx %arg7[%add3A_245] : memref<10624xf32, #tpu.memory_space<vmem>>[vector<16xi32>], vector<16xf32>,
    %mul3A_247 = arith.mulf %gather3A_242, %gather3A_246 : vector<16xf32>
    %add3A_248 = arith.addf %add3A_238, %mul3A_247 : vector<16xf32>
    %swap3A_249 = arith.constant 80 : index
    %swap3A_250 = tpu.vector_load %arg8[%swap3A_249] {strides = array<i32>} : memref<512xf32, #tpu.memory_space<vmem>>, vector<16xf32>,
    tpu.vector_store %arg8[%swap3A_249], %add3A_248 {strides = array<i32>} : memref<512xf32, #tpu.memory_space<vmem>>, vector<16xf32>,
    %get3A_251 = arith.constant 96 : index
    %get3A_252 = tpu.vector_load %arg4[%get3A_251] {strides = array<i32>} : memref<512xf32, #tpu.memory_space<vmem>>, vector<16xf32>,
    %bitcast3A_253 = vector.bitcast %get3A_252 : vector<16xf32> to vector<16xi32>
    %mul3A_254 = arith.constant 3 : i32
    %mul3A_255 = vector.broadcast %mul3A_254 : i32 to vector<16xi32>
    %mul3A_256 = arith.muli %bitcast3A_253, %mul3A_255 : vector<16xi32>
    %get3A_257 = arith.constant 96 : index
    %get3A_258 = tpu.vector_load %arg5[%get3A_257] {strides = array<i32>} : memref<512xf32, #tpu.memory_space<vmem>>, vector<16xf32>,
    %bitcast3A_259 = vector.bitcast %get3A_258 : vector<16xf32> to vector<16xi32>
    %mul3A_260 = arith.constant 3 : i32
    %mul3A_261 = vector.broadcast %mul3A_260 : i32 to vector<16xi32>
    %mul3A_262 = arith.muli %bitcast3A_259, %mul3A_261 : vector<16xi32>
    %add3A_263 = arith.constant 4504 : i32
    %add3A_264 = vector.broadcast %add3A_263 : i32 to vector<16xi32>
    %add3A_265 = arith.addi %mul3A_262, %add3A_264 : vector<16xi32>
    %gather3A_266 = tpu.vector_load_idx %arg7[%mul3A_256] : memref<10624xf32, #tpu.memory_space<vmem>>[vector<16xi32>], vector<16xf32>,
    %gather3A_267 = tpu.vector_load_idx %arg7[%add3A_265] : memref<10624xf32, #tpu.memory_space<vmem>>[vector<16xi32>], vector<16xf32>,
    %mul3A_268 = arith.mulf %gather3A_266, %gather3A_267 : vector<16xf32>
    %add3A_269 = arith.constant 1 : i32
    %add3A_270 = vector.broadcast %add3A_269 : i32 to vector<16xi32>
    %add3A_271 = arith.addi %mul3A_256, %add3A_270 : vector<16xi32>
    %gather3A_272 = tpu.vector_load_idx %arg7[%add3A_271] : memref<10624xf32, #tpu.memory_space<vmem>>[vector<16xi32>], vector<16xf32>,
    %add3A_273 = arith.constant 1 : i32
    %add3A_274 = vector.broadcast %add3A_273 : i32 to vector<16xi32>
    %add3A_275 = arith.addi %add3A_265, %add3A_274 : vector<16xi32>
    %gather3A_276 = tpu.vector_load_idx %arg7[%add3A_275] : memref<10624xf32, #tpu.memory_space<vmem>>[vector<16xi32>], vector<16xf32>,
    %mul3A_277 = arith.mulf %gather3A_272, %gather3A_276 : vector<16xf32>
    %add3A_278 = arith.addf %mul3A_268, %mul3A_277 : vector<16xf32>
    %add3A_279 = arith.constant 2 : i32
    %add3A_280 = vector.broadcast %add3A_279 : i32 to vector<16xi32>
    %add3A_281 = arith.addi %mul3A_256, %add3A_280 : vector<16xi32>
    %gather3A_282 = tpu.vector_load_idx %arg7[%add3A_281] : memref<10624xf32, #tpu.memory_space<vmem>>[vector<16xi32>], vector<16xf32>,
    %add3A_283 = arith.constant 2 : i32
    %add3A_284 = vector.broadcast %add3A_283 : i32 to vector<16xi32>
    %add3A_285 = arith.addi %add3A_265, %add3A_284 : vector<16xi32>
    %gather3A_286 = tpu.vector_load_idx %arg7[%add3A_285] : memref<10624xf32, #tpu.memory_space<vmem>>[vector<16xi32>], vector<16xf32>,
    %mul3A_287 = arith.mulf %gather3A_282, %gather3A_286 : vector<16xf32>
    %add3A_288 = arith.addf %add3A_278, %mul3A_287 : vector<16xf32>
    %swap3A_289 = arith.constant 96 : index
    %swap3A_290 = tpu.vector_load %arg8[%swap3A_289] {strides = array<i32>} : memref<512xf32, #tpu.memory_space<vmem>>, vector<16xf32>,
    tpu.vector_store %arg8[%swap3A_289], %add3A_288 {strides = array<i32>} : memref<512xf32, #tpu.memory_space<vmem>>, vector<16xf32>,
    %get3A_291 = arith.constant 112 : index
    %get3A_292 = tpu.vector_load %arg4[%get3A_291] {strides = array<i32>} : memref<512xf32, #tpu.memory_space<vmem>>, vector<16xf32>,
    %bitcast3A_293 = vector.bitcast %get3A_292 : vector<16xf32> to vector<16xi32>
    %mul3A_294 = arith.constant 3 : i32
    %mul3A_295 = vector.broadcast %mul3A_294 : i32 to vector<16xi32>
    %mul3A_296 = arith.muli %bitcast3A_293, %mul3A_295 : vector<16xi32>
    %get3A_297 = arith.constant 112 : index
    %get3A_298 = tpu.vector_load %arg5[%get3A_297] {strides = array<i32>} : memref<512xf32, #tpu.memory_space<vmem>>, vector<16xf32>,
    %bitcast3A_299 = vector.bitcast %get3A_298 : vector<16xf32> to vector<16xi32>
    %mul3A_300 = arith.constant 3 : i32
    %mul3A_301 = vector.broadcast %mul3A_300 : i32 to vector<16xi32>
    %mul3A_302 = arith.muli %bitcast3A_299, %mul3A_301 : vector<16xi32>
    %add3A_303 = arith.constant 4504 : i32
    %add3A_304 = vector.broadcast %add3A_303 : i32 to vector<16xi32>
    %add3A_305 = arith.addi %mul3A_302, %add3A_304 : vector<16xi32>
    %gather3A_306 = tpu.vector_load_idx %arg7[%mul3A_296] : memref<10624xf32, #tpu.memory_space<vmem>>[vector<16xi32>], vector<16xf32>,
    %gather3A_307 = tpu.vector_load_idx %arg7[%add3A_305] : memref<10624xf32, #tpu.memory_space<vmem>>[vector<16xi32>], vector<16xf32>,
    %mul3A_308 = arith.mulf %gather3A_306, %gather3A_307 : vector<16xf32>
    %add3A_309 = arith.constant 1 : i32
    %add3A_310 = vector.broadcast %add3A_309 : i32 to vector<16xi32>
    %add3A_311 = arith.addi %mul3A_296, %add3A_310 : vector<16xi32>
    %gather3A_312 = tpu.vector_load_idx %arg7[%add3A_311] : memref<10624xf32, #tpu.memory_space<vmem>>[vector<16xi32>], vector<16xf32>,
    %add3A_313 = arith.constant 1 : i32
    %add3A_314 = vector.broadcast %add3A_313 : i32 to vector<16xi32>
    %add3A_315 = arith.addi %add3A_305, %add3A_314 : vector<16xi32>
    %gather3A_316 = tpu.vector_load_idx %arg7[%add3A_315] : memref<10624xf32, #tpu.memory_space<vmem>>[vector<16xi32>], vector<16xf32>,
    %mul3A_317 = arith.mulf %gather3A_312, %gather3A_316 : vector<16xf32>
    %add3A_318 = arith.addf %mul3A_308, %mul3A_317 : vector<16xf32>
    %add3A_319 = arith.constant 2 : i32
    %add3A_320 = vector.broadcast %add3A_319 : i32 to vector<16xi32>
    %add3A_321 = arith.addi %mul3A_296, %add3A_320 : vector<16xi32>
    %gather3A_322 = tpu.vector_load_idx %arg7[%add3A_321] : memref<10624xf32, #tpu.memory_space<vmem>>[vector<16xi32>], vector<16xf32>,
    %add3A_323 = arith.constant 2 : i32
    %add3A_324 = vector.broadcast %add3A_323 : i32 to vector<16xi32>
    %add3A_325 = arith.addi %add3A_305, %add3A_324 : vector<16xi32>
    %gather3A_326 = tpu.vector_load_idx %arg7[%add3A_325] : memref<10624xf32, #tpu.memory_space<vmem>>[vector<16xi32>], vector<16xf32>,
    %mul3A_327 = arith.mulf %gather3A_322, %gather3A_326 : vector<16xf32>
    %add3A_328 = arith.addf %add3A_318, %mul3A_327 : vector<16xf32>
    %swap3A_329 = arith.constant 112 : index
    %swap3A_330 = tpu.vector_load %arg8[%swap3A_329] {strides = array<i32>} : memref<512xf32, #tpu.memory_space<vmem>>, vector<16xf32>,
    tpu.vector_store %arg8[%swap3A_329], %add3A_328 {strides = array<i32>} : memref<512xf32, #tpu.memory_space<vmem>>, vector<16xf32>,
    %get3A_331 = arith.constant 128 : index
    %get3A_332 = tpu.vector_load %arg4[%get3A_331] {strides = array<i32>} : memref<512xf32, #tpu.memory_space<vmem>>, vector<16xf32>,
    %bitcast3A_333 = vector.bitcast %get3A_332 : vector<16xf32> to vector<16xi32>
    %mul3A_334 = arith.constant 3 : i32
    %mul3A_335 = vector.broadcast %mul3A_334 : i32 to vector<16xi32>
    %mul3A_336 = arith.muli %bitcast3A_333, %mul3A_335 : vector<16xi32>
    %get3A_337 = arith.constant 128 : index
    %get3A_338 = tpu.vector_load %arg5[%get3A_337] {strides = array<i32>} : memref<512xf32, #tpu.memory_space<vmem>>, vector<16xf32>,
    %bitcast3A_339 = vector.bitcast %get3A_338 : vector<16xf32> to vector<16xi32>
    %mul3A_340 = arith.constant 3 : i32
    %mul3A_341 = vector.broadcast %mul3A_340 : i32 to vector<16xi32>
    %mul3A_342 = arith.muli %bitcast3A_339, %mul3A_341 : vector<16xi32>
    %add3A_343 = arith.constant 4504 : i32
    %add3A_344 = vector.broadcast %add3A_343 : i32 to vector<16xi32>
    %add3A_345 = arith.addi %mul3A_342, %add3A_344 : vector<16xi32>
    %gather3A_346 = tpu.vector_load_idx %arg7[%mul3A_336] : memref<10624xf32, #tpu.memory_space<vmem>>[vector<16xi32>], vector<16xf32>,
    %gather3A_347 = tpu.vector_load_idx %arg7[%add3A_345] : memref<10624xf32, #tpu.memory_space<vmem>>[vector<16xi32>], vector<16xf32>,
    %mul3A_348 = arith.mulf %gather3A_346, %gather3A_347 : vector<16xf32>
    %add3A_349 = arith.constant 1 : i32
    %add3A_350 = vector.broadcast %add3A_349 : i32 to vector<16xi32>
    %add3A_351 = arith.addi %mul3A_336, %add3A_350 : vector<16xi32>
    %gather3A_352 = tpu.vector_load_idx %arg7[%add3A_351] : memref<10624xf32, #tpu.memory_space<vmem>>[vector<16xi32>], vector<16xf32>,
    %add3A_353 = arith.constant 1 : i32
    %add3A_354 = vector.broadcast %add3A_353 : i32 to vector<16xi32>
    %add3A_355 = arith.addi %add3A_345, %add3A_354 : vector<16xi32>
    %gather3A_356 = tpu.vector_load_idx %arg7[%add3A_355] : memref<10624xf32, #tpu.memory_space<vmem>>[vector<16xi32>], vector<16xf32>,
    %mul3A_357 = arith.mulf %gather3A_352, %gather3A_356 : vector<16xf32>
    %add3A_358 = arith.addf %mul3A_348, %mul3A_357 : vector<16xf32>
    %add3A_359 = arith.constant 2 : i32
    %add3A_360 = vector.broadcast %add3A_359 : i32 to vector<16xi32>
    %add3A_361 = arith.addi %mul3A_336, %add3A_360 : vector<16xi32>
    %gather3A_362 = tpu.vector_load_idx %arg7[%add3A_361] : memref<10624xf32, #tpu.memory_space<vmem>>[vector<16xi32>], vector<16xf32>,
    %add3A_363 = arith.constant 2 : i32
    %add3A_364 = vector.broadcast %add3A_363 : i32 to vector<16xi32>
    %add3A_365 = arith.addi %add3A_345, %add3A_364 : vector<16xi32>
    %gather3A_366 = tpu.vector_load_idx %arg7[%add3A_365] : memref<10624xf32, #tpu.memory_space<vmem>>[vector<16xi32>], vector<16xf32>,
    %mul3A_367 = arith.mulf %gather3A_362, %gather3A_366 : vector<16xf32>
    %add3A_368 = arith.addf %add3A_358, %mul3A_367 : vector<16xf32>
    %swap3A_369 = arith.constant 128 : index
    %swap3A_370 = tpu.vector_load %arg8[%swap3A_369] {strides = array<i32>} : memref<512xf32, #tpu.memory_space<vmem>>, vector<16xf32>,
    tpu.vector_store %arg8[%swap3A_369], %add3A_368 {strides = array<i32>} : memref<512xf32, #tpu.memory_space<vmem>>, vector<16xf32>,
    %get3A_371 = arith.constant 144 : index
    %get3A_372 = tpu.vector_load %arg4[%get3A_371] {strides = array<i32>} : memref<512xf32, #tpu.memory_space<vmem>>, vector<16xf32>,
    %bitcast3A_373 = vector.bitcast %get3A_372 : vector<16xf32> to vector<16xi32>
    %mul3A_374 = arith.constant 3 : i32
    %mul3A_375 = vector.broadcast %mul3A_374 : i32 to vector<16xi32>
    %mul3A_376 = arith.muli %bitcast3A_373, %mul3A_375 : vector<16xi32>
    %get3A_377 = arith.constant 144 : index
    %get3A_378 = tpu.vector_load %arg5[%get3A_377] {strides = array<i32>} : memref<512xf32, #tpu.memory_space<vmem>>, vector<16xf32>,
    %bitcast3A_379 = vector.bitcast %get3A_378 : vector<16xf32> to vector<16xi32>
    %mul3A_380 = arith.constant 3 : i32
    %mul3A_381 = vector.broadcast %mul3A_380 : i32 to vector<16xi32>
    %mul3A_382 = arith.muli %bitcast3A_379, %mul3A_381 : vector<16xi32>
    %add3A_383 = arith.constant 4504 : i32
    %add3A_384 = vector.broadcast %add3A_383 : i32 to vector<16xi32>
    %add3A_385 = arith.addi %mul3A_382, %add3A_384 : vector<16xi32>
    %gather3A_386 = tpu.vector_load_idx %arg7[%mul3A_376] : memref<10624xf32, #tpu.memory_space<vmem>>[vector<16xi32>], vector<16xf32>,
    %gather3A_387 = tpu.vector_load_idx %arg7[%add3A_385] : memref<10624xf32, #tpu.memory_space<vmem>>[vector<16xi32>], vector<16xf32>,
    %mul3A_388 = arith.mulf %gather3A_386, %gather3A_387 : vector<16xf32>
    %add3A_389 = arith.constant 1 : i32
    %add3A_390 = vector.broadcast %add3A_389 : i32 to vector<16xi32>
    %add3A_391 = arith.addi %mul3A_376, %add3A_390 : vector<16xi32>
    %gather3A_392 = tpu.vector_load_idx %arg7[%add3A_391] : memref<10624xf32, #tpu.memory_space<vmem>>[vector<16xi32>], vector<16xf32>,
    %add3A_393 = arith.constant 1 : i32
    %add3A_394 = vector.broadcast %add3A_393 : i32 to vector<16xi32>
    %add3A_395 = arith.addi %add3A_385, %add3A_394 : vector<16xi32>
    %gather3A_396 = tpu.vector_load_idx %arg7[%add3A_395] : memref<10624xf32, #tpu.memory_space<vmem>>[vector<16xi32>], vector<16xf32>,
    %mul3A_397 = arith.mulf %gather3A_392, %gather3A_396 : vector<16xf32>
    %add3A_398 = arith.addf %mul3A_388, %mul3A_397 : vector<16xf32>
    %add3A_399 = arith.constant 2 : i32
    %add3A_400 = vector.broadcast %add3A_399 : i32 to vector<16xi32>
    %add3A_401 = arith.addi %mul3A_376, %add3A_400 : vector<16xi32>
    %gather3A_402 = tpu.vector_load_idx %arg7[%add3A_401] : memref<10624xf32, #tpu.memory_space<vmem>>[vector<16xi32>], vector<16xf32>,
    %add3A_403 = arith.constant 2 : i32
    %add3A_404 = vector.broadcast %add3A_403 : i32 to vector<16xi32>
    %add3A_405 = arith.addi %add3A_385, %add3A_404 : vector<16xi32>
    %gather3A_406 = tpu.vector_load_idx %arg7[%add3A_405] : memref<10624xf32, #tpu.memory_space<vmem>>[vector<16xi32>], vector<16xf32>,
    %mul3A_407 = arith.mulf %gather3A_402, %gather3A_406 : vector<16xf32>
    %add3A_408 = arith.addf %add3A_398, %mul3A_407 : vector<16xf32>
    %swap3A_409 = arith.constant 144 : index
    %swap3A_410 = tpu.vector_load %arg8[%swap3A_409] {strides = array<i32>} : memref<512xf32, #tpu.memory_space<vmem>>, vector<16xf32>,
    tpu.vector_store %arg8[%swap3A_409], %add3A_408 {strides = array<i32>} : memref<512xf32, #tpu.memory_space<vmem>>, vector<16xf32>,
    %get3A_411 = arith.constant 160 : index
    %get3A_412 = tpu.vector_load %arg4[%get3A_411] {strides = array<i32>} : memref<512xf32, #tpu.memory_space<vmem>>, vector<16xf32>,
    %bitcast3A_413 = vector.bitcast %get3A_412 : vector<16xf32> to vector<16xi32>
    %mul3A_414 = arith.constant 3 : i32
    %mul3A_415 = vector.broadcast %mul3A_414 : i32 to vector<16xi32>
    %mul3A_416 = arith.muli %bitcast3A_413, %mul3A_415 : vector<16xi32>
    %get3A_417 = arith.constant 160 : index
    %get3A_418 = tpu.vector_load %arg5[%get3A_417] {strides = array<i32>} : memref<512xf32, #tpu.memory_space<vmem>>, vector<16xf32>,
    %bitcast3A_419 = vector.bitcast %get3A_418 : vector<16xf32> to vector<16xi32>
    %mul3A_420 = arith.constant 3 : i32
    %mul3A_421 = vector.broadcast %mul3A_420 : i32 to vector<16xi32>
    %mul3A_422 = arith.muli %bitcast3A_419, %mul3A_421 : vector<16xi32>
    %add3A_423 = arith.constant 4504 : i32
    %add3A_424 = vector.broadcast %add3A_423 : i32 to vector<16xi32>
    %add3A_425 = arith.addi %mul3A_422, %add3A_424 : vector<16xi32>
    %gather3A_426 = tpu.vector_load_idx %arg7[%mul3A_416] : memref<10624xf32, #tpu.memory_space<vmem>>[vector<16xi32>], vector<16xf32>,
    %gather3A_427 = tpu.vector_load_idx %arg7[%add3A_425] : memref<10624xf32, #tpu.memory_space<vmem>>[vector<16xi32>], vector<16xf32>,
    %mul3A_428 = arith.mulf %gather3A_426, %gather3A_427 : vector<16xf32>
    %add3A_429 = arith.constant 1 : i32
    %add3A_430 = vector.broadcast %add3A_429 : i32 to vector<16xi32>
    %add3A_431 = arith.addi %mul3A_416, %add3A_430 : vector<16xi32>
    %gather3A_432 = tpu.vector_load_idx %arg7[%add3A_431] : memref<10624xf32, #tpu.memory_space<vmem>>[vector<16xi32>], vector<16xf32>,
    %add3A_433 = arith.constant 1 : i32
    %add3A_434 = vector.broadcast %add3A_433 : i32 to vector<16xi32>
    %add3A_435 = arith.addi %add3A_425, %add3A_434 : vector<16xi32>
    %gather3A_436 = tpu.vector_load_idx %arg7[%add3A_435] : memref<10624xf32, #tpu.memory_space<vmem>>[vector<16xi32>], vector<16xf32>,
    %mul3A_437 = arith.mulf %gather3A_432, %gather3A_436 : vector<16xf32>
    %add3A_438 = arith.addf %mul3A_428, %mul3A_437 : vector<16xf32>
    %add3A_439 = arith.constant 2 : i32
    %add3A_440 = vector.broadcast %add3A_439 : i32 to vector<16xi32>
    %add3A_441 = arith.addi %mul3A_416, %add3A_440 : vector<16xi32>
    %gather3A_442 = tpu.vector_load_idx %arg7[%add3A_441] : memref<10624xf32, #tpu.memory_space<vmem>>[vector<16xi32>], vector<16xf32>,
    %add3A_443 = arith.constant 2 : i32
    %add3A_444 = vector.broadcast %add3A_443 : i32 to vector<16xi32>
    %add3A_445 = arith.addi %add3A_425, %add3A_444 : vector<16xi32>
    %gather3A_446 = tpu.vector_load_idx %arg7[%add3A_445] : memref<10624xf32, #tpu.memory_space<vmem>>[vector<16xi32>], vector<16xf32>,
    %mul3A_447 = arith.mulf %gather3A_442, %gather3A_446 : vector<16xf32>
    %add3A_448 = arith.addf %add3A_438, %mul3A_447 : vector<16xf32>
    %swap3A_449 = arith.constant 160 : index
    %swap3A_450 = tpu.vector_load %arg8[%swap3A_449] {strides = array<i32>} : memref<512xf32, #tpu.memory_space<vmem>>, vector<16xf32>,
    tpu.vector_store %arg8[%swap3A_449], %add3A_448 {strides = array<i32>} : memref<512xf32, #tpu.memory_space<vmem>>, vector<16xf32>,
    %get3A_451 = arith.constant 176 : index
    %get3A_452 = tpu.vector_load %arg4[%get3A_451] {strides = array<i32>} : memref<512xf32, #tpu.memory_space<vmem>>, vector<16xf32>,
    %bitcast3A_453 = vector.bitcast %get3A_452 : vector<16xf32> to vector<16xi32>
    %mul3A_454 = arith.constant 3 : i32
    %mul3A_455 = vector.broadcast %mul3A_454 : i32 to vector<16xi32>
    %mul3A_456 = arith.muli %bitcast3A_453, %mul3A_455 : vector<16xi32>
    %get3A_457 = arith.constant 176 : index
    %get3A_458 = tpu.vector_load %arg5[%get3A_457] {strides = array<i32>} : memref<512xf32, #tpu.memory_space<vmem>>, vector<16xf32>,
    %bitcast3A_459 = vector.bitcast %get3A_458 : vector<16xf32> to vector<16xi32>
    %mul3A_460 = arith.constant 3 : i32
    %mul3A_461 = vector.broadcast %mul3A_460 : i32 to vector<16xi32>
    %mul3A_462 = arith.muli %bitcast3A_459, %mul3A_461 : vector<16xi32>
    %add3A_463 = arith.constant 4504 : i32
    %add3A_464 = vector.broadcast %add3A_463 : i32 to vector<16xi32>
    %add3A_465 = arith.addi %mul3A_462, %add3A_464 : vector<16xi32>
    %gather3A_466 = tpu.vector_load_idx %arg7[%mul3A_456] : memref<10624xf32, #tpu.memory_space<vmem>>[vector<16xi32>], vector<16xf32>,
    %gather3A_467 = tpu.vector_load_idx %arg7[%add3A_465] : memref<10624xf32, #tpu.memory_space<vmem>>[vector<16xi32>], vector<16xf32>,
    %mul3A_468 = arith.mulf %gather3A_466, %gather3A_467 : vector<16xf32>
    %add3A_469 = arith.constant 1 : i32
    %add3A_470 = vector.broadcast %add3A_469 : i32 to vector<16xi32>
    %add3A_471 = arith.addi %mul3A_456, %add3A_470 : vector<16xi32>
    %gather3A_472 = tpu.vector_load_idx %arg7[%add3A_471] : memref<10624xf32, #tpu.memory_space<vmem>>[vector<16xi32>], vector<16xf32>,
    %add3A_473 = arith.constant 1 : i32
    %add3A_474 = vector.broadcast %add3A_473 : i32 to vector<16xi32>
    %add3A_475 = arith.addi %add3A_465, %add3A_474 : vector<16xi32>
    %gather3A_476 = tpu.vector_load_idx %arg7[%add3A_475] : memref<10624xf32, #tpu.memory_space<vmem>>[vector<16xi32>], vector<16xf32>,
    %mul3A_477 = arith.mulf %gather3A_472, %gather3A_476 : vector<16xf32>
    %add3A_478 = arith.addf %mul3A_468, %mul3A_477 : vector<16xf32>
    %add3A_479 = arith.constant 2 : i32
    %add3A_480 = vector.broadcast %add3A_479 : i32 to vector<16xi32>
    %add3A_481 = arith.addi %mul3A_456, %add3A_480 : vector<16xi32>
    %gather3A_482 = tpu.vector_load_idx %arg7[%add3A_481] : memref<10624xf32, #tpu.memory_space<vmem>>[vector<16xi32>], vector<16xf32>,
    %add3A_483 = arith.constant 2 : i32
    %add3A_484 = vector.broadcast %add3A_483 : i32 to vector<16xi32>
    %add3A_485 = arith.addi %add3A_465, %add3A_484 : vector<16xi32>
    %gather3A_486 = tpu.vector_load_idx %arg7[%add3A_485] : memref<10624xf32, #tpu.memory_space<vmem>>[vector<16xi32>], vector<16xf32>,
    %mul3A_487 = arith.mulf %gather3A_482, %gather3A_486 : vector<16xf32>
    %add3A_488 = arith.addf %add3A_478, %mul3A_487 : vector<16xf32>
    %swap3A_489 = arith.constant 176 : index
    %swap3A_490 = tpu.vector_load %arg8[%swap3A_489] {strides = array<i32>} : memref<512xf32, #tpu.memory_space<vmem>>, vector<16xf32>,
    tpu.vector_store %arg8[%swap3A_489], %add3A_488 {strides = array<i32>} : memref<512xf32, #tpu.memory_space<vmem>>, vector<16xf32>,
    %get3A_491 = arith.constant 192 : index
    %get3A_492 = tpu.vector_load %arg4[%get3A_491] {strides = array<i32>} : memref<512xf32, #tpu.memory_space<vmem>>, vector<16xf32>,
    %bitcast3A_493 = vector.bitcast %get3A_492 : vector<16xf32> to vector<16xi32>
    %mul3A_494 = arith.constant 3 : i32
    %mul3A_495 = vector.broadcast %mul3A_494 : i32 to vector<16xi32>
    %mul3A_496 = arith.muli %bitcast3A_493, %mul3A_495 : vector<16xi32>
    %get3A_497 = arith.constant 192 : index
    %get3A_498 = tpu.vector_load %arg5[%get3A_497] {strides = array<i32>} : memref<512xf32, #tpu.memory_space<vmem>>, vector<16xf32>,
    %bitcast3A_499 = vector.bitcast %get3A_498 : vector<16xf32> to vector<16xi32>
    %mul3A_500 = arith.constant 3 : i32
    %mul3A_501 = vector.broadcast %mul3A_500 : i32 to vector<16xi32>
    %mul3A_502 = arith.muli %bitcast3A_499, %mul3A_501 : vector<16xi32>
    %add3A_503 = arith.constant 4504 : i32
    %add3A_504 = vector.broadcast %add3A_503 : i32 to vector<16xi32>
    %add3A_505 = arith.addi %mul3A_502, %add3A_504 : vector<16xi32>
    %gather3A_506 = tpu.vector_load_idx %arg7[%mul3A_496] : memref<10624xf32, #tpu.memory_space<vmem>>[vector<16xi32>], vector<16xf32>,
    %gather3A_507 = tpu.vector_load_idx %arg7[%add3A_505] : memref<10624xf32, #tpu.memory_space<vmem>>[vector<16xi32>], vector<16xf32>,
    %mul3A_508 = arith.mulf %gather3A_506, %gather3A_507 : vector<16xf32>
    %add3A_509 = arith.constant 1 : i32
    %add3A_510 = vector.broadcast %add3A_509 : i32 to vector<16xi32>
    %add3A_511 = arith.addi %mul3A_496, %add3A_510 : vector<16xi32>
    %gather3A_512 = tpu.vector_load_idx %arg7[%add3A_511] : memref<10624xf32, #tpu.memory_space<vmem>>[vector<16xi32>], vector<16xf32>,
    %add3A_513 = arith.constant 1 : i32
    %add3A_514 = vector.broadcast %add3A_513 : i32 to vector<16xi32>
    %add3A_515 = arith.addi %add3A_505, %add3A_514 : vector<16xi32>
    %gather3A_516 = tpu.vector_load_idx %arg7[%add3A_515] : memref<10624xf32, #tpu.memory_space<vmem>>[vector<16xi32>], vector<16xf32>,
    %mul3A_517 = arith.mulf %gather3A_512, %gather3A_516 : vector<16xf32>
    %add3A_518 = arith.addf %mul3A_508, %mul3A_517 : vector<16xf32>
    %add3A_519 = arith.constant 2 : i32
    %add3A_520 = vector.broadcast %add3A_519 : i32 to vector<16xi32>
    %add3A_521 = arith.addi %mul3A_496, %add3A_520 : vector<16xi32>
    %gather3A_522 = tpu.vector_load_idx %arg7[%add3A_521] : memref<10624xf32, #tpu.memory_space<vmem>>[vector<16xi32>], vector<16xf32>,
    %add3A_523 = arith.constant 2 : i32
    %add3A_524 = vector.broadcast %add3A_523 : i32 to vector<16xi32>
    %add3A_525 = arith.addi %add3A_505, %add3A_524 : vector<16xi32>
    %gather3A_526 = tpu.vector_load_idx %arg7[%add3A_525] : memref<10624xf32, #tpu.memory_space<vmem>>[vector<16xi32>], vector<16xf32>,
    %mul3A_527 = arith.mulf %gather3A_522, %gather3A_526 : vector<16xf32>
    %add3A_528 = arith.addf %add3A_518, %mul3A_527 : vector<16xf32>
    %swap3A_529 = arith.constant 192 : index
    %swap3A_530 = tpu.vector_load %arg8[%swap3A_529] {strides = array<i32>} : memref<512xf32, #tpu.memory_space<vmem>>, vector<16xf32>,
    tpu.vector_store %arg8[%swap3A_529], %add3A_528 {strides = array<i32>} : memref<512xf32, #tpu.memory_space<vmem>>, vector<16xf32>,
    %get3A_531 = arith.constant 208 : index
    %get3A_532 = tpu.vector_load %arg4[%get3A_531] {strides = array<i32>} : memref<512xf32, #tpu.memory_space<vmem>>, vector<16xf32>,
    %bitcast3A_533 = vector.bitcast %get3A_532 : vector<16xf32> to vector<16xi32>
    %mul3A_534 = arith.constant 3 : i32
    %mul3A_535 = vector.broadcast %mul3A_534 : i32 to vector<16xi32>
    %mul3A_536 = arith.muli %bitcast3A_533, %mul3A_535 : vector<16xi32>
    %get3A_537 = arith.constant 208 : index
    %get3A_538 = tpu.vector_load %arg5[%get3A_537] {strides = array<i32>} : memref<512xf32, #tpu.memory_space<vmem>>, vector<16xf32>,
    %bitcast3A_539 = vector.bitcast %get3A_538 : vector<16xf32> to vector<16xi32>
    %mul3A_540 = arith.constant 3 : i32
    %mul3A_541 = vector.broadcast %mul3A_540 : i32 to vector<16xi32>
    %mul3A_542 = arith.muli %bitcast3A_539, %mul3A_541 : vector<16xi32>
    %add3A_543 = arith.constant 4504 : i32
    %add3A_544 = vector.broadcast %add3A_543 : i32 to vector<16xi32>
    %add3A_545 = arith.addi %mul3A_542, %add3A_544 : vector<16xi32>
    %gather3A_546 = tpu.vector_load_idx %arg7[%mul3A_536] : memref<10624xf32, #tpu.memory_space<vmem>>[vector<16xi32>], vector<16xf32>,
    %gather3A_547 = tpu.vector_load_idx %arg7[%add3A_545] : memref<10624xf32, #tpu.memory_space<vmem>>[vector<16xi32>], vector<16xf32>,
    %mul3A_548 = arith.mulf %gather3A_546, %gather3A_547 : vector<16xf32>
    %add3A_549 = arith.constant 1 : i32
    %add3A_550 = vector.broadcast %add3A_549 : i32 to vector<16xi32>
    %add3A_551 = arith.addi %mul3A_536, %add3A_550 : vector<16xi32>
    %gather3A_552 = tpu.vector_load_idx %arg7[%add3A_551] : memref<10624xf32, #tpu.memory_space<vmem>>[vector<16xi32>], vector<16xf32>,
    %add3A_553 = arith.constant 1 : i32
    %add3A_554 = vector.broadcast %add3A_553 : i32 to vector<16xi32>
    %add3A_555 = arith.addi %add3A_545, %add3A_554 : vector<16xi32>
    %gather3A_556 = tpu.vector_load_idx %arg7[%add3A_555] : memref<10624xf32, #tpu.memory_space<vmem>>[vector<16xi32>], vector<16xf32>,
    %mul3A_557 = arith.mulf %gather3A_552, %gather3A_556 : vector<16xf32>
    %add3A_558 = arith.addf %mul3A_548, %mul3A_557 : vector<16xf32>
    %add3A_559 = arith.constant 2 : i32
    %add3A_560 = vector.broadcast %add3A_559 : i32 to vector<16xi32>
    %add3A_561 = arith.addi %mul3A_536, %add3A_560 : vector<16xi32>
    %gather3A_562 = tpu.vector_load_idx %arg7[%add3A_561] : memref<10624xf32, #tpu.memory_space<vmem>>[vector<16xi32>], vector<16xf32>,
    %add3A_563 = arith.constant 2 : i32
    %add3A_564 = vector.broadcast %add3A_563 : i32 to vector<16xi32>
    %add3A_565 = arith.addi %add3A_545, %add3A_564 : vector<16xi32>
    %gather3A_566 = tpu.vector_load_idx %arg7[%add3A_565] : memref<10624xf32, #tpu.memory_space<vmem>>[vector<16xi32>], vector<16xf32>,
    %mul3A_567 = arith.mulf %gather3A_562, %gather3A_566 : vector<16xf32>
    %add3A_568 = arith.addf %add3A_558, %mul3A_567 : vector<16xf32>
    %swap3A_569 = arith.constant 208 : index
    %swap3A_570 = tpu.vector_load %arg8[%swap3A_569] {strides = array<i32>} : memref<512xf32, #tpu.memory_space<vmem>>, vector<16xf32>,
    tpu.vector_store %arg8[%swap3A_569], %add3A_568 {strides = array<i32>} : memref<512xf32, #tpu.memory_space<vmem>>, vector<16xf32>,
    %get3A_571 = arith.constant 224 : index
    %get3A_572 = tpu.vector_load %arg4[%get3A_571] {strides = array<i32>} : memref<512xf32, #tpu.memory_space<vmem>>, vector<16xf32>,
    %bitcast3A_573 = vector.bitcast %get3A_572 : vector<16xf32> to vector<16xi32>
    %mul3A_574 = arith.constant 3 : i32
    %mul3A_575 = vector.broadcast %mul3A_574 : i32 to vector<16xi32>
    %mul3A_576 = arith.muli %bitcast3A_573, %mul3A_575 : vector<16xi32>
    %get3A_577 = arith.constant 224 : index
    %get3A_578 = tpu.vector_load %arg5[%get3A_577] {strides = array<i32>} : memref<512xf32, #tpu.memory_space<vmem>>, vector<16xf32>,
    %bitcast3A_579 = vector.bitcast %get3A_578 : vector<16xf32> to vector<16xi32>
    %mul3A_580 = arith.constant 3 : i32
    %mul3A_581 = vector.broadcast %mul3A_580 : i32 to vector<16xi32>
    %mul3A_582 = arith.muli %bitcast3A_579, %mul3A_581 : vector<16xi32>
    %add3A_583 = arith.constant 4504 : i32
    %add3A_584 = vector.broadcast %add3A_583 : i32 to vector<16xi32>
    %add3A_585 = arith.addi %mul3A_582, %add3A_584 : vector<16xi32>
    %gather3A_586 = tpu.vector_load_idx %arg7[%mul3A_576] : memref<10624xf32, #tpu.memory_space<vmem>>[vector<16xi32>], vector<16xf32>,
    %gather3A_587 = tpu.vector_load_idx %arg7[%add3A_585] : memref<10624xf32, #tpu.memory_space<vmem>>[vector<16xi32>], vector<16xf32>,
    %mul3A_588 = arith.mulf %gather3A_586, %gather3A_587 : vector<16xf32>
    %add3A_589 = arith.constant 1 : i32
    %add3A_590 = vector.broadcast %add3A_589 : i32 to vector<16xi32>
    %add3A_591 = arith.addi %mul3A_576, %add3A_590 : vector<16xi32>
    %gather3A_592 = tpu.vector_load_idx %arg7[%add3A_591] : memref<10624xf32, #tpu.memory_space<vmem>>[vector<16xi32>], vector<16xf32>,
    %add3A_593 = arith.constant 1 : i32
    %add3A_594 = vector.broadcast %add3A_593 : i32 to vector<16xi32>
    %add3A_595 = arith.addi %add3A_585, %add3A_594 : vector<16xi32>
    %gather3A_596 = tpu.vector_load_idx %arg7[%add3A_595] : memref<10624xf32, #tpu.memory_space<vmem>>[vector<16xi32>], vector<16xf32>,
    %mul3A_597 = arith.mulf %gather3A_592, %gather3A_596 : vector<16xf32>
    %add3A_598 = arith.addf %mul3A_588, %mul3A_597 : vector<16xf32>
    %add3A_599 = arith.constant 2 : i32
    %add3A_600 = vector.broadcast %add3A_599 : i32 to vector<16xi32>
    %add3A_601 = arith.addi %mul3A_576, %add3A_600 : vector<16xi32>
    %gather3A_602 = tpu.vector_load_idx %arg7[%add3A_601] : memref<10624xf32, #tpu.memory_space<vmem>>[vector<16xi32>], vector<16xf32>,
    %add3A_603 = arith.constant 2 : i32
    %add3A_604 = vector.broadcast %add3A_603 : i32 to vector<16xi32>
    %add3A_605 = arith.addi %add3A_585, %add3A_604 : vector<16xi32>
    %gather3A_606 = tpu.vector_load_idx %arg7[%add3A_605] : memref<10624xf32, #tpu.memory_space<vmem>>[vector<16xi32>], vector<16xf32>,
    %mul3A_607 = arith.mulf %gather3A_602, %gather3A_606 : vector<16xf32>
    %add3A_608 = arith.addf %add3A_598, %mul3A_607 : vector<16xf32>
    %swap3A_609 = arith.constant 224 : index
    %swap3A_610 = tpu.vector_load %arg8[%swap3A_609] {strides = array<i32>} : memref<512xf32, #tpu.memory_space<vmem>>, vector<16xf32>,
    tpu.vector_store %arg8[%swap3A_609], %add3A_608 {strides = array<i32>} : memref<512xf32, #tpu.memory_space<vmem>>, vector<16xf32>,
    %get3A_611 = arith.constant 240 : index
    %get3A_612 = tpu.vector_load %arg4[%get3A_611] {strides = array<i32>} : memref<512xf32, #tpu.memory_space<vmem>>, vector<16xf32>,
    %bitcast3A_613 = vector.bitcast %get3A_612 : vector<16xf32> to vector<16xi32>
    %mul3A_614 = arith.constant 3 : i32
    %mul3A_615 = vector.broadcast %mul3A_614 : i32 to vector<16xi32>
    %mul3A_616 = arith.muli %bitcast3A_613, %mul3A_615 : vector<16xi32>
    %get3A_617 = arith.constant 240 : index
    %get3A_618 = tpu.vector_load %arg5[%get3A_617] {strides = array<i32>} : memref<512xf32, #tpu.memory_space<vmem>>, vector<16xf32>,
    %bitcast3A_619 = vector.bitcast %get3A_618 : vector<16xf32> to vector<16xi32>
    %mul3A_620 = arith.constant 3 : i32
    %mul3A_621 = vector.broadcast %mul3A_620 : i32 to vector<16xi32>
    %mul3A_622 = arith.muli %bitcast3A_619, %mul3A_621 : vector<16xi32>
    %add3A_623 = arith.constant 4504 : i32
    %add3A_624 = vector.broadcast %add3A_623 : i32 to vector<16xi32>
    %add3A_625 = arith.addi %mul3A_622, %add3A_624 : vector<16xi32>
    %gather3A_626 = tpu.vector_load_idx %arg7[%mul3A_616] : memref<10624xf32, #tpu.memory_space<vmem>>[vector<16xi32>], vector<16xf32>,
    %gather3A_627 = tpu.vector_load_idx %arg7[%add3A_625] : memref<10624xf32, #tpu.memory_space<vmem>>[vector<16xi32>], vector<16xf32>,
    %mul3A_628 = arith.mulf %gather3A_626, %gather3A_627 : vector<16xf32>
    %add3A_629 = arith.constant 1 : i32
    %add3A_630 = vector.broadcast %add3A_629 : i32 to vector<16xi32>
    %add3A_631 = arith.addi %mul3A_616, %add3A_630 : vector<16xi32>
    %gather3A_632 = tpu.vector_load_idx %arg7[%add3A_631] : memref<10624xf32, #tpu.memory_space<vmem>>[vector<16xi32>], vector<16xf32>,
    %add3A_633 = arith.constant 1 : i32
    %add3A_634 = vector.broadcast %add3A_633 : i32 to vector<16xi32>
    %add3A_635 = arith.addi %add3A_625, %add3A_634 : vector<16xi32>
    %gather3A_636 = tpu.vector_load_idx %arg7[%add3A_635] : memref<10624xf32, #tpu.memory_space<vmem>>[vector<16xi32>], vector<16xf32>,
    %mul3A_637 = arith.mulf %gather3A_632, %gather3A_636 : vector<16xf32>
    %add3A_638 = arith.addf %mul3A_628, %mul3A_637 : vector<16xf32>
    %add3A_639 = arith.constant 2 : i32
    %add3A_640 = vector.broadcast %add3A_639 : i32 to vector<16xi32>
    %add3A_641 = arith.addi %mul3A_616, %add3A_640 : vector<16xi32>
    %gather3A_642 = tpu.vector_load_idx %arg7[%add3A_641] : memref<10624xf32, #tpu.memory_space<vmem>>[vector<16xi32>], vector<16xf32>,
    %add3A_643 = arith.constant 2 : i32
    %add3A_644 = vector.broadcast %add3A_643 : i32 to vector<16xi32>
    %add3A_645 = arith.addi %add3A_625, %add3A_644 : vector<16xi32>
    %gather3A_646 = tpu.vector_load_idx %arg7[%add3A_645] : memref<10624xf32, #tpu.memory_space<vmem>>[vector<16xi32>], vector<16xf32>,
    %mul3A_647 = arith.mulf %gather3A_642, %gather3A_646 : vector<16xf32>
    %add3A_648 = arith.addf %add3A_638, %mul3A_647 : vector<16xf32>
    %swap3A_649 = arith.constant 240 : index
    %swap3A_650 = tpu.vector_load %arg8[%swap3A_649] {strides = array<i32>} : memref<512xf32, #tpu.memory_space<vmem>>, vector<16xf32>,
    tpu.vector_store %arg8[%swap3A_649], %add3A_648 {strides = array<i32>} : memref<512xf32, #tpu.memory_space<vmem>>, vector<16xf32>,
    %get3A_651 = arith.constant 256 : index
    %get3A_652 = tpu.vector_load %arg4[%get3A_651] {strides = array<i32>} : memref<512xf32, #tpu.memory_space<vmem>>, vector<16xf32>,
    %bitcast3A_653 = vector.bitcast %get3A_652 : vector<16xf32> to vector<16xi32>
    %mul3A_654 = arith.constant 3 : i32
    %mul3A_655 = vector.broadcast %mul3A_654 : i32 to vector<16xi32>
    %mul3A_656 = arith.muli %bitcast3A_653, %mul3A_655 : vector<16xi32>
    %get3A_657 = arith.constant 256 : index
    %get3A_658 = tpu.vector_load %arg5[%get3A_657] {strides = array<i32>} : memref<512xf32, #tpu.memory_space<vmem>>, vector<16xf32>,
    %bitcast3A_659 = vector.bitcast %get3A_658 : vector<16xf32> to vector<16xi32>
    %mul3A_660 = arith.constant 3 : i32
    %mul3A_661 = vector.broadcast %mul3A_660 : i32 to vector<16xi32>
    %mul3A_662 = arith.muli %bitcast3A_659, %mul3A_661 : vector<16xi32>
    %add3A_663 = arith.constant 4504 : i32
    %add3A_664 = vector.broadcast %add3A_663 : i32 to vector<16xi32>
    %add3A_665 = arith.addi %mul3A_662, %add3A_664 : vector<16xi32>
    %gather3A_666 = tpu.vector_load_idx %arg7[%mul3A_656] : memref<10624xf32, #tpu.memory_space<vmem>>[vector<16xi32>], vector<16xf32>,
    %gather3A_667 = tpu.vector_load_idx %arg7[%add3A_665] : memref<10624xf32, #tpu.memory_space<vmem>>[vector<16xi32>], vector<16xf32>,
    %mul3A_668 = arith.mulf %gather3A_666, %gather3A_667 : vector<16xf32>
    %add3A_669 = arith.constant 1 : i32
    %add3A_670 = vector.broadcast %add3A_669 : i32 to vector<16xi32>
    %add3A_671 = arith.addi %mul3A_656, %add3A_670 : vector<16xi32>
    %gather3A_672 = tpu.vector_load_idx %arg7[%add3A_671] : memref<10624xf32, #tpu.memory_space<vmem>>[vector<16xi32>], vector<16xf32>,
    %add3A_673 = arith.constant 1 : i32
    %add3A_674 = vector.broadcast %add3A_673 : i32 to vector<16xi32>
    %add3A_675 = arith.addi %add3A_665, %add3A_674 : vector<16xi32>
    %gather3A_676 = tpu.vector_load_idx %arg7[%add3A_675] : memref<10624xf32, #tpu.memory_space<vmem>>[vector<16xi32>], vector<16xf32>,
    %mul3A_677 = arith.mulf %gather3A_672, %gather3A_676 : vector<16xf32>
    %add3A_678 = arith.addf %mul3A_668, %mul3A_677 : vector<16xf32>
    %add3A_679 = arith.constant 2 : i32
    %add3A_680 = vector.broadcast %add3A_679 : i32 to vector<16xi32>
    %add3A_681 = arith.addi %mul3A_656, %add3A_680 : vector<16xi32>
    %gather3A_682 = tpu.vector_load_idx %arg7[%add3A_681] : memref<10624xf32, #tpu.memory_space<vmem>>[vector<16xi32>], vector<16xf32>,
    %add3A_683 = arith.constant 2 : i32
    %add3A_684 = vector.broadcast %add3A_683 : i32 to vector<16xi32>
    %add3A_685 = arith.addi %add3A_665, %add3A_684 : vector<16xi32>
    %gather3A_686 = tpu.vector_load_idx %arg7[%add3A_685] : memref<10624xf32, #tpu.memory_space<vmem>>[vector<16xi32>], vector<16xf32>,
    %mul3A_687 = arith.mulf %gather3A_682, %gather3A_686 : vector<16xf32>
    %add3A_688 = arith.addf %add3A_678, %mul3A_687 : vector<16xf32>
    %swap3A_689 = arith.constant 256 : index
    %swap3A_690 = tpu.vector_load %arg8[%swap3A_689] {strides = array<i32>} : memref<512xf32, #tpu.memory_space<vmem>>, vector<16xf32>,
    tpu.vector_store %arg8[%swap3A_689], %add3A_688 {strides = array<i32>} : memref<512xf32, #tpu.memory_space<vmem>>, vector<16xf32>,
    %get3A_691 = arith.constant 272 : index
    %get3A_692 = tpu.vector_load %arg4[%get3A_691] {strides = array<i32>} : memref<512xf32, #tpu.memory_space<vmem>>, vector<16xf32>,
    %bitcast3A_693 = vector.bitcast %get3A_692 : vector<16xf32> to vector<16xi32>
    %mul3A_694 = arith.constant 3 : i32
    %mul3A_695 = vector.broadcast %mul3A_694 : i32 to vector<16xi32>
    %mul3A_696 = arith.muli %bitcast3A_693, %mul3A_695 : vector<16xi32>
    %get3A_697 = arith.constant 272 : index
    %get3A_698 = tpu.vector_load %arg5[%get3A_697] {strides = array<i32>} : memref<512xf32, #tpu.memory_space<vmem>>, vector<16xf32>,
    %bitcast3A_699 = vector.bitcast %get3A_698 : vector<16xf32> to vector<16xi32>
    %mul3A_700 = arith.constant 3 : i32
    %mul3A_701 = vector.broadcast %mul3A_700 : i32 to vector<16xi32>
    %mul3A_702 = arith.muli %bitcast3A_699, %mul3A_701 : vector<16xi32>
    %add3A_703 = arith.constant 4504 : i32
    %add3A_704 = vector.broadcast %add3A_703 : i32 to vector<16xi32>
    %add3A_705 = arith.addi %mul3A_702, %add3A_704 : vector<16xi32>
    %gather3A_706 = tpu.vector_load_idx %arg7[%mul3A_696] : memref<10624xf32, #tpu.memory_space<vmem>>[vector<16xi32>], vector<16xf32>,
    %gather3A_707 = tpu.vector_load_idx %arg7[%add3A_705] : memref<10624xf32, #tpu.memory_space<vmem>>[vector<16xi32>], vector<16xf32>,
    %mul3A_708 = arith.mulf %gather3A_706, %gather3A_707 : vector<16xf32>
    %add3A_709 = arith.constant 1 : i32
    %add3A_710 = vector.broadcast %add3A_709 : i32 to vector<16xi32>
    %add3A_711 = arith.addi %mul3A_696, %add3A_710 : vector<16xi32>
    %gather3A_712 = tpu.vector_load_idx %arg7[%add3A_711] : memref<10624xf32, #tpu.memory_space<vmem>>[vector<16xi32>], vector<16xf32>,
    %add3A_713 = arith.constant 1 : i32
    %add3A_714 = vector.broadcast %add3A_713 : i32 to vector<16xi32>
    %add3A_715 = arith.addi %add3A_705, %add3A_714 : vector<16xi32>
    %gather3A_716 = tpu.vector_load_idx %arg7[%add3A_715] : memref<10624xf32, #tpu.memory_space<vmem>>[vector<16xi32>], vector<16xf32>,
    %mul3A_717 = arith.mulf %gather3A_712, %gather3A_716 : vector<16xf32>
    %add3A_718 = arith.addf %mul3A_708, %mul3A_717 : vector<16xf32>
    %add3A_719 = arith.constant 2 : i32
    %add3A_720 = vector.broadcast %add3A_719 : i32 to vector<16xi32>
    %add3A_721 = arith.addi %mul3A_696, %add3A_720 : vector<16xi32>
    %gather3A_722 = tpu.vector_load_idx %arg7[%add3A_721] : memref<10624xf32, #tpu.memory_space<vmem>>[vector<16xi32>], vector<16xf32>,
    %add3A_723 = arith.constant 2 : i32
    %add3A_724 = vector.broadcast %add3A_723 : i32 to vector<16xi32>
    %add3A_725 = arith.addi %add3A_705, %add3A_724 : vector<16xi32>
    %gather3A_726 = tpu.vector_load_idx %arg7[%add3A_725] : memref<10624xf32, #tpu.memory_space<vmem>>[vector<16xi32>], vector<16xf32>,
    %mul3A_727 = arith.mulf %gather3A_722, %gather3A_726 : vector<16xf32>
    %add3A_728 = arith.addf %add3A_718, %mul3A_727 : vector<16xf32>
    %swap3A_729 = arith.constant 272 : index
    %swap3A_730 = tpu.vector_load %arg8[%swap3A_729] {strides = array<i32>} : memref<512xf32, #tpu.memory_space<vmem>>, vector<16xf32>,
    tpu.vector_store %arg8[%swap3A_729], %add3A_728 {strides = array<i32>} : memref<512xf32, #tpu.memory_space<vmem>>, vector<16xf32>,
    %get3A_731 = arith.constant 288 : index
    %get3A_732 = tpu.vector_load %arg4[%get3A_731] {strides = array<i32>} : memref<512xf32, #tpu.memory_space<vmem>>, vector<16xf32>,
    %bitcast3A_733 = vector.bitcast %get3A_732 : vector<16xf32> to vector<16xi32>
    %mul3A_734 = arith.constant 3 : i32
    %mul3A_735 = vector.broadcast %mul3A_734 : i32 to vector<16xi32>
    %mul3A_736 = arith.muli %bitcast3A_733, %mul3A_735 : vector<16xi32>
    %get3A_737 = arith.constant 288 : index
    %get3A_738 = tpu.vector_load %arg5[%get3A_737] {strides = array<i32>} : memref<512xf32, #tpu.memory_space<vmem>>, vector<16xf32>,
    %bitcast3A_739 = vector.bitcast %get3A_738 : vector<16xf32> to vector<16xi32>
    %mul3A_740 = arith.constant 3 : i32
    %mul3A_741 = vector.broadcast %mul3A_740 : i32 to vector<16xi32>
    %mul3A_742 = arith.muli %bitcast3A_739, %mul3A_741 : vector<16xi32>
    %add3A_743 = arith.constant 4504 : i32
    %add3A_744 = vector.broadcast %add3A_743 : i32 to vector<16xi32>
    %add3A_745 = arith.addi %mul3A_742, %add3A_744 : vector<16xi32>
    %gather3A_746 = tpu.vector_load_idx %arg7[%mul3A_736] : memref<10624xf32, #tpu.memory_space<vmem>>[vector<16xi32>], vector<16xf32>,
    %gather3A_747 = tpu.vector_load_idx %arg7[%add3A_745] : memref<10624xf32, #tpu.memory_space<vmem>>[vector<16xi32>], vector<16xf32>,
    %mul3A_748 = arith.mulf %gather3A_746, %gather3A_747 : vector<16xf32>
    %add3A_749 = arith.constant 1 : i32
    %add3A_750 = vector.broadcast %add3A_749 : i32 to vector<16xi32>
    %add3A_751 = arith.addi %mul3A_736, %add3A_750 : vector<16xi32>
    %gather3A_752 = tpu.vector_load_idx %arg7[%add3A_751] : memref<10624xf32, #tpu.memory_space<vmem>>[vector<16xi32>], vector<16xf32>,
    %add3A_753 = arith.constant 1 : i32
    %add3A_754 = vector.broadcast %add3A_753 : i32 to vector<16xi32>
    %add3A_755 = arith.addi %add3A_745, %add3A_754 : vector<16xi32>
    %gather3A_756 = tpu.vector_load_idx %arg7[%add3A_755] : memref<10624xf32, #tpu.memory_space<vmem>>[vector<16xi32>], vector<16xf32>,
    %mul3A_757 = arith.mulf %gather3A_752, %gather3A_756 : vector<16xf32>
    %add3A_758 = arith.addf %mul3A_748, %mul3A_757 : vector<16xf32>
    %add3A_759 = arith.constant 2 : i32
    %add3A_760 = vector.broadcast %add3A_759 : i32 to vector<16xi32>
    %add3A_761 = arith.addi %mul3A_736, %add3A_760 : vector<16xi32>
    %gather3A_762 = tpu.vector_load_idx %arg7[%add3A_761] : memref<10624xf32, #tpu.memory_space<vmem>>[vector<16xi32>], vector<16xf32>,
    %add3A_763 = arith.constant 2 : i32
    %add3A_764 = vector.broadcast %add3A_763 : i32 to vector<16xi32>
    %add3A_765 = arith.addi %add3A_745, %add3A_764 : vector<16xi32>
    %gather3A_766 = tpu.vector_load_idx %arg7[%add3A_765] : memref<10624xf32, #tpu.memory_space<vmem>>[vector<16xi32>], vector<16xf32>,
    %mul3A_767 = arith.mulf %gather3A_762, %gather3A_766 : vector<16xf32>
    %add3A_768 = arith.addf %add3A_758, %mul3A_767 : vector<16xf32>
    %swap3A_769 = arith.constant 288 : index
    %swap3A_770 = tpu.vector_load %arg8[%swap3A_769] {strides = array<i32>} : memref<512xf32, #tpu.memory_space<vmem>>, vector<16xf32>,
    tpu.vector_store %arg8[%swap3A_769], %add3A_768 {strides = array<i32>} : memref<512xf32, #tpu.memory_space<vmem>>, vector<16xf32>,
    %get3A_771 = arith.constant 304 : index
    %get3A_772 = tpu.vector_load %arg4[%get3A_771] {strides = array<i32>} : memref<512xf32, #tpu.memory_space<vmem>>, vector<16xf32>,
    %bitcast3A_773 = vector.bitcast %get3A_772 : vector<16xf32> to vector<16xi32>
    %mul3A_774 = arith.constant 3 : i32
    %mul3A_775 = vector.broadcast %mul3A_774 : i32 to vector<16xi32>
    %mul3A_776 = arith.muli %bitcast3A_773, %mul3A_775 : vector<16xi32>
    %get3A_777 = arith.constant 304 : index
    %get3A_778 = tpu.vector_load %arg5[%get3A_777] {strides = array<i32>} : memref<512xf32, #tpu.memory_space<vmem>>, vector<16xf32>,
    %bitcast3A_779 = vector.bitcast %get3A_778 : vector<16xf32> to vector<16xi32>
    %mul3A_780 = arith.constant 3 : i32
    %mul3A_781 = vector.broadcast %mul3A_780 : i32 to vector<16xi32>
    %mul3A_782 = arith.muli %bitcast3A_779, %mul3A_781 : vector<16xi32>
    %add3A_783 = arith.constant 4504 : i32
    %add3A_784 = vector.broadcast %add3A_783 : i32 to vector<16xi32>
    %add3A_785 = arith.addi %mul3A_782, %add3A_784 : vector<16xi32>
    %gather3A_786 = tpu.vector_load_idx %arg7[%mul3A_776] : memref<10624xf32, #tpu.memory_space<vmem>>[vector<16xi32>], vector<16xf32>,
    %gather3A_787 = tpu.vector_load_idx %arg7[%add3A_785] : memref<10624xf32, #tpu.memory_space<vmem>>[vector<16xi32>], vector<16xf32>,
    %mul3A_788 = arith.mulf %gather3A_786, %gather3A_787 : vector<16xf32>
    %add3A_789 = arith.constant 1 : i32
    %add3A_790 = vector.broadcast %add3A_789 : i32 to vector<16xi32>
    %add3A_791 = arith.addi %mul3A_776, %add3A_790 : vector<16xi32>
    %gather3A_792 = tpu.vector_load_idx %arg7[%add3A_791] : memref<10624xf32, #tpu.memory_space<vmem>>[vector<16xi32>], vector<16xf32>,
    %add3A_793 = arith.constant 1 : i32
    %add3A_794 = vector.broadcast %add3A_793 : i32 to vector<16xi32>
    %add3A_795 = arith.addi %add3A_785, %add3A_794 : vector<16xi32>
    %gather3A_796 = tpu.vector_load_idx %arg7[%add3A_795] : memref<10624xf32, #tpu.memory_space<vmem>>[vector<16xi32>], vector<16xf32>,
    %mul3A_797 = arith.mulf %gather3A_792, %gather3A_796 : vector<16xf32>
    %add3A_798 = arith.addf %mul3A_788, %mul3A_797 : vector<16xf32>
    %add3A_799 = arith.constant 2 : i32
    %add3A_800 = vector.broadcast %add3A_799 : i32 to vector<16xi32>
    %add3A_801 = arith.addi %mul3A_776, %add3A_800 : vector<16xi32>
    %gather3A_802 = tpu.vector_load_idx %arg7[%add3A_801] : memref<10624xf32, #tpu.memory_space<vmem>>[vector<16xi32>], vector<16xf32>,
    %add3A_803 = arith.constant 2 : i32
    %add3A_804 = vector.broadcast %add3A_803 : i32 to vector<16xi32>
    %add3A_805 = arith.addi %add3A_785, %add3A_804 : vector<16xi32>
    %gather3A_806 = tpu.vector_load_idx %arg7[%add3A_805] : memref<10624xf32, #tpu.memory_space<vmem>>[vector<16xi32>], vector<16xf32>,
    %mul3A_807 = arith.mulf %gather3A_802, %gather3A_806 : vector<16xf32>
    %add3A_808 = arith.addf %add3A_798, %mul3A_807 : vector<16xf32>
    %swap3A_809 = arith.constant 304 : index
    %swap3A_810 = tpu.vector_load %arg8[%swap3A_809] {strides = array<i32>} : memref<512xf32, #tpu.memory_space<vmem>>, vector<16xf32>,
    tpu.vector_store %arg8[%swap3A_809], %add3A_808 {strides = array<i32>} : memref<512xf32, #tpu.memory_space<vmem>>, vector<16xf32>,
    %get3A_811 = arith.constant 320 : index
    %get3A_812 = tpu.vector_load %arg4[%get3A_811] {strides = array<i32>} : memref<512xf32, #tpu.memory_space<vmem>>, vector<16xf32>,
    %bitcast3A_813 = vector.bitcast %get3A_812 : vector<16xf32> to vector<16xi32>
    %mul3A_814 = arith.constant 3 : i32
    %mul3A_815 = vector.broadcast %mul3A_814 : i32 to vector<16xi32>
    %mul3A_816 = arith.muli %bitcast3A_813, %mul3A_815 : vector<16xi32>
    %get3A_817 = arith.constant 320 : index
    %get3A_818 = tpu.vector_load %arg5[%get3A_817] {strides = array<i32>} : memref<512xf32, #tpu.memory_space<vmem>>, vector<16xf32>,
    %bitcast3A_819 = vector.bitcast %get3A_818 : vector<16xf32> to vector<16xi32>
    %mul3A_820 = arith.constant 3 : i32
    %mul3A_821 = vector.broadcast %mul3A_820 : i32 to vector<16xi32>
    %mul3A_822 = arith.muli %bitcast3A_819, %mul3A_821 : vector<16xi32>
    %add3A_823 = arith.constant 4504 : i32
    %add3A_824 = vector.broadcast %add3A_823 : i32 to vector<16xi32>
    %add3A_825 = arith.addi %mul3A_822, %add3A_824 : vector<16xi32>
    %gather3A_826 = tpu.vector_load_idx %arg7[%mul3A_816] : memref<10624xf32, #tpu.memory_space<vmem>>[vector<16xi32>], vector<16xf32>,
    %gather3A_827 = tpu.vector_load_idx %arg7[%add3A_825] : memref<10624xf32, #tpu.memory_space<vmem>>[vector<16xi32>], vector<16xf32>,
    %mul3A_828 = arith.mulf %gather3A_826, %gather3A_827 : vector<16xf32>
    %add3A_829 = arith.constant 1 : i32
    %add3A_830 = vector.broadcast %add3A_829 : i32 to vector<16xi32>
    %add3A_831 = arith.addi %mul3A_816, %add3A_830 : vector<16xi32>
    %gather3A_832 = tpu.vector_load_idx %arg7[%add3A_831] : memref<10624xf32, #tpu.memory_space<vmem>>[vector<16xi32>], vector<16xf32>,
    %add3A_833 = arith.constant 1 : i32
    %add3A_834 = vector.broadcast %add3A_833 : i32 to vector<16xi32>
    %add3A_835 = arith.addi %add3A_825, %add3A_834 : vector<16xi32>
    %gather3A_836 = tpu.vector_load_idx %arg7[%add3A_835] : memref<10624xf32, #tpu.memory_space<vmem>>[vector<16xi32>], vector<16xf32>,
    %mul3A_837 = arith.mulf %gather3A_832, %gather3A_836 : vector<16xf32>
    %add3A_838 = arith.addf %mul3A_828, %mul3A_837 : vector<16xf32>
    %add3A_839 = arith.constant 2 : i32
    %add3A_840 = vector.broadcast %add3A_839 : i32 to vector<16xi32>
    %add3A_841 = arith.addi %mul3A_816, %add3A_840 : vector<16xi32>
    %gather3A_842 = tpu.vector_load_idx %arg7[%add3A_841] : memref<10624xf32, #tpu.memory_space<vmem>>[vector<16xi32>], vector<16xf32>,
    %add3A_843 = arith.constant 2 : i32
    %add3A_844 = vector.broadcast %add3A_843 : i32 to vector<16xi32>
    %add3A_845 = arith.addi %add3A_825, %add3A_844 : vector<16xi32>
    %gather3A_846 = tpu.vector_load_idx %arg7[%add3A_845] : memref<10624xf32, #tpu.memory_space<vmem>>[vector<16xi32>], vector<16xf32>,
    %mul3A_847 = arith.mulf %gather3A_842, %gather3A_846 : vector<16xf32>
    %add3A_848 = arith.addf %add3A_838, %mul3A_847 : vector<16xf32>
    %swap3A_849 = arith.constant 320 : index
    %swap3A_850 = tpu.vector_load %arg8[%swap3A_849] {strides = array<i32>} : memref<512xf32, #tpu.memory_space<vmem>>, vector<16xf32>,
    tpu.vector_store %arg8[%swap3A_849], %add3A_848 {strides = array<i32>} : memref<512xf32, #tpu.memory_space<vmem>>, vector<16xf32>,
    %get3A_851 = arith.constant 336 : index
    %get3A_852 = tpu.vector_load %arg4[%get3A_851] {strides = array<i32>} : memref<512xf32, #tpu.memory_space<vmem>>, vector<16xf32>,
    %bitcast3A_853 = vector.bitcast %get3A_852 : vector<16xf32> to vector<16xi32>
    %mul3A_854 = arith.constant 3 : i32
    %mul3A_855 = vector.broadcast %mul3A_854 : i32 to vector<16xi32>
    %mul3A_856 = arith.muli %bitcast3A_853, %mul3A_855 : vector<16xi32>
    %get3A_857 = arith.constant 336 : index
    %get3A_858 = tpu.vector_load %arg5[%get3A_857] {strides = array<i32>} : memref<512xf32, #tpu.memory_space<vmem>>, vector<16xf32>,
    %bitcast3A_859 = vector.bitcast %get3A_858 : vector<16xf32> to vector<16xi32>
    %mul3A_860 = arith.constant 3 : i32
    %mul3A_861 = vector.broadcast %mul3A_860 : i32 to vector<16xi32>
    %mul3A_862 = arith.muli %bitcast3A_859, %mul3A_861 : vector<16xi32>
    %add3A_863 = arith.constant 4504 : i32
    %add3A_864 = vector.broadcast %add3A_863 : i32 to vector<16xi32>
    %add3A_865 = arith.addi %mul3A_862, %add3A_864 : vector<16xi32>
    %gather3A_866 = tpu.vector_load_idx %arg7[%mul3A_856] : memref<10624xf32, #tpu.memory_space<vmem>>[vector<16xi32>], vector<16xf32>,
    %gather3A_867 = tpu.vector_load_idx %arg7[%add3A_865] : memref<10624xf32, #tpu.memory_space<vmem>>[vector<16xi32>], vector<16xf32>,
    %mul3A_868 = arith.mulf %gather3A_866, %gather3A_867 : vector<16xf32>
    %add3A_869 = arith.constant 1 : i32
    %add3A_870 = vector.broadcast %add3A_869 : i32 to vector<16xi32>
    %add3A_871 = arith.addi %mul3A_856, %add3A_870 : vector<16xi32>
    %gather3A_872 = tpu.vector_load_idx %arg7[%add3A_871] : memref<10624xf32, #tpu.memory_space<vmem>>[vector<16xi32>], vector<16xf32>,
    %add3A_873 = arith.constant 1 : i32
    %add3A_874 = vector.broadcast %add3A_873 : i32 to vector<16xi32>
    %add3A_875 = arith.addi %add3A_865, %add3A_874 : vector<16xi32>
    %gather3A_876 = tpu.vector_load_idx %arg7[%add3A_875] : memref<10624xf32, #tpu.memory_space<vmem>>[vector<16xi32>], vector<16xf32>,
    %mul3A_877 = arith.mulf %gather3A_872, %gather3A_876 : vector<16xf32>
    %add3A_878 = arith.addf %mul3A_868, %mul3A_877 : vector<16xf32>
    %add3A_879 = arith.constant 2 : i32
    %add3A_880 = vector.broadcast %add3A_879 : i32 to vector<16xi32>
    %add3A_881 = arith.addi %mul3A_856, %add3A_880 : vector<16xi32>
    %gather3A_882 = tpu.vector_load_idx %arg7[%add3A_881] : memref<10624xf32, #tpu.memory_space<vmem>>[vector<16xi32>], vector<16xf32>,
    %add3A_883 = arith.constant 2 : i32
    %add3A_884 = vector.broadcast %add3A_883 : i32 to vector<16xi32>
    %add3A_885 = arith.addi %add3A_865, %add3A_884 : vector<16xi32>
    %gather3A_886 = tpu.vector_load_idx %arg7[%add3A_885] : memref<10624xf32, #tpu.memory_space<vmem>>[vector<16xi32>], vector<16xf32>,
    %mul3A_887 = arith.mulf %gather3A_882, %gather3A_886 : vector<16xf32>
    %add3A_888 = arith.addf %add3A_878, %mul3A_887 : vector<16xf32>
    %swap3A_889 = arith.constant 336 : index
    %swap3A_890 = tpu.vector_load %arg8[%swap3A_889] {strides = array<i32>} : memref<512xf32, #tpu.memory_space<vmem>>, vector<16xf32>,
    tpu.vector_store %arg8[%swap3A_889], %add3A_888 {strides = array<i32>} : memref<512xf32, #tpu.memory_space<vmem>>, vector<16xf32>,
    %get3A_891 = arith.constant 352 : index
    %get3A_892 = tpu.vector_load %arg4[%get3A_891] {strides = array<i32>} : memref<512xf32, #tpu.memory_space<vmem>>, vector<16xf32>,
    %bitcast3A_893 = vector.bitcast %get3A_892 : vector<16xf32> to vector<16xi32>
    %mul3A_894 = arith.constant 3 : i32
    %mul3A_895 = vector.broadcast %mul3A_894 : i32 to vector<16xi32>
    %mul3A_896 = arith.muli %bitcast3A_893, %mul3A_895 : vector<16xi32>
    %get3A_897 = arith.constant 352 : index
    %get3A_898 = tpu.vector_load %arg5[%get3A_897] {strides = array<i32>} : memref<512xf32, #tpu.memory_space<vmem>>, vector<16xf32>,
    %bitcast3A_899 = vector.bitcast %get3A_898 : vector<16xf32> to vector<16xi32>
    %mul3A_900 = arith.constant 3 : i32
    %mul3A_901 = vector.broadcast %mul3A_900 : i32 to vector<16xi32>
    %mul3A_902 = arith.muli %bitcast3A_899, %mul3A_901 : vector<16xi32>
    %add3A_903 = arith.constant 4504 : i32
    %add3A_904 = vector.broadcast %add3A_903 : i32 to vector<16xi32>
    %add3A_905 = arith.addi %mul3A_902, %add3A_904 : vector<16xi32>
    %gather3A_906 = tpu.vector_load_idx %arg7[%mul3A_896] : memref<10624xf32, #tpu.memory_space<vmem>>[vector<16xi32>], vector<16xf32>,
    %gather3A_907 = tpu.vector_load_idx %arg7[%add3A_905] : memref<10624xf32, #tpu.memory_space<vmem>>[vector<16xi32>], vector<16xf32>,
    %mul3A_908 = arith.mulf %gather3A_906, %gather3A_907 : vector<16xf32>
    %add3A_909 = arith.constant 1 : i32
    %add3A_910 = vector.broadcast %add3A_909 : i32 to vector<16xi32>
    %add3A_911 = arith.addi %mul3A_896, %add3A_910 : vector<16xi32>
    %gather3A_912 = tpu.vector_load_idx %arg7[%add3A_911] : memref<10624xf32, #tpu.memory_space<vmem>>[vector<16xi32>], vector<16xf32>,
    %add3A_913 = arith.constant 1 : i32
    %add3A_914 = vector.broadcast %add3A_913 : i32 to vector<16xi32>
    %add3A_915 = arith.addi %add3A_905, %add3A_914 : vector<16xi32>
    %gather3A_916 = tpu.vector_load_idx %arg7[%add3A_915] : memref<10624xf32, #tpu.memory_space<vmem>>[vector<16xi32>], vector<16xf32>,
    %mul3A_917 = arith.mulf %gather3A_912, %gather3A_916 : vector<16xf32>
    %add3A_918 = arith.addf %mul3A_908, %mul3A_917 : vector<16xf32>
    %add3A_919 = arith.constant 2 : i32
    %add3A_920 = vector.broadcast %add3A_919 : i32 to vector<16xi32>
    %add3A_921 = arith.addi %mul3A_896, %add3A_920 : vector<16xi32>
    %gather3A_922 = tpu.vector_load_idx %arg7[%add3A_921] : memref<10624xf32, #tpu.memory_space<vmem>>[vector<16xi32>], vector<16xf32>,
    %add3A_923 = arith.constant 2 : i32
    %add3A_924 = vector.broadcast %add3A_923 : i32 to vector<16xi32>
    %add3A_925 = arith.addi %add3A_905, %add3A_924 : vector<16xi32>
    %gather3A_926 = tpu.vector_load_idx %arg7[%add3A_925] : memref<10624xf32, #tpu.memory_space<vmem>>[vector<16xi32>], vector<16xf32>,
    %mul3A_927 = arith.mulf %gather3A_922, %gather3A_926 : vector<16xf32>
    %add3A_928 = arith.addf %add3A_918, %mul3A_927 : vector<16xf32>
    %swap3A_929 = arith.constant 352 : index
    %swap3A_930 = tpu.vector_load %arg8[%swap3A_929] {strides = array<i32>} : memref<512xf32, #tpu.memory_space<vmem>>, vector<16xf32>,
    tpu.vector_store %arg8[%swap3A_929], %add3A_928 {strides = array<i32>} : memref<512xf32, #tpu.memory_space<vmem>>, vector<16xf32>,
    %get3A_931 = arith.constant 368 : index
    %get3A_932 = tpu.vector_load %arg4[%get3A_931] {strides = array<i32>} : memref<512xf32, #tpu.memory_space<vmem>>, vector<16xf32>,
    %bitcast3A_933 = vector.bitcast %get3A_932 : vector<16xf32> to vector<16xi32>
    %mul3A_934 = arith.constant 3 : i32
    %mul3A_935 = vector.broadcast %mul3A_934 : i32 to vector<16xi32>
    %mul3A_936 = arith.muli %bitcast3A_933, %mul3A_935 : vector<16xi32>
    %get3A_937 = arith.constant 368 : index
    %get3A_938 = tpu.vector_load %arg5[%get3A_937] {strides = array<i32>} : memref<512xf32, #tpu.memory_space<vmem>>, vector<16xf32>,
    %bitcast3A_939 = vector.bitcast %get3A_938 : vector<16xf32> to vector<16xi32>
    %mul3A_940 = arith.constant 3 : i32
    %mul3A_941 = vector.broadcast %mul3A_940 : i32 to vector<16xi32>
    %mul3A_942 = arith.muli %bitcast3A_939, %mul3A_941 : vector<16xi32>
    %add3A_943 = arith.constant 4504 : i32
    %add3A_944 = vector.broadcast %add3A_943 : i32 to vector<16xi32>
    %add3A_945 = arith.addi %mul3A_942, %add3A_944 : vector<16xi32>
    %gather3A_946 = tpu.vector_load_idx %arg7[%mul3A_936] : memref<10624xf32, #tpu.memory_space<vmem>>[vector<16xi32>], vector<16xf32>,
    %gather3A_947 = tpu.vector_load_idx %arg7[%add3A_945] : memref<10624xf32, #tpu.memory_space<vmem>>[vector<16xi32>], vector<16xf32>,
    %mul3A_948 = arith.mulf %gather3A_946, %gather3A_947 : vector<16xf32>
    %add3A_949 = arith.constant 1 : i32
    %add3A_950 = vector.broadcast %add3A_949 : i32 to vector<16xi32>
    %add3A_951 = arith.addi %mul3A_936, %add3A_950 : vector<16xi32>
    %gather3A_952 = tpu.vector_load_idx %arg7[%add3A_951] : memref<10624xf32, #tpu.memory_space<vmem>>[vector<16xi32>], vector<16xf32>,
    %add3A_953 = arith.constant 1 : i32
    %add3A_954 = vector.broadcast %add3A_953 : i32 to vector<16xi32>
    %add3A_955 = arith.addi %add3A_945, %add3A_954 : vector<16xi32>
    %gather3A_956 = tpu.vector_load_idx %arg7[%add3A_955] : memref<10624xf32, #tpu.memory_space<vmem>>[vector<16xi32>], vector<16xf32>,
    %mul3A_957 = arith.mulf %gather3A_952, %gather3A_956 : vector<16xf32>
    %add3A_958 = arith.addf %mul3A_948, %mul3A_957 : vector<16xf32>
    %add3A_959 = arith.constant 2 : i32
    %add3A_960 = vector.broadcast %add3A_959 : i32 to vector<16xi32>
    %add3A_961 = arith.addi %mul3A_936, %add3A_960 : vector<16xi32>
    %gather3A_962 = tpu.vector_load_idx %arg7[%add3A_961] : memref<10624xf32, #tpu.memory_space<vmem>>[vector<16xi32>], vector<16xf32>,
    %add3A_963 = arith.constant 2 : i32
    %add3A_964 = vector.broadcast %add3A_963 : i32 to vector<16xi32>
    %add3A_965 = arith.addi %add3A_945, %add3A_964 : vector<16xi32>
    %gather3A_966 = tpu.vector_load_idx %arg7[%add3A_965] : memref<10624xf32, #tpu.memory_space<vmem>>[vector<16xi32>], vector<16xf32>,
    %mul3A_967 = arith.mulf %gather3A_962, %gather3A_966 : vector<16xf32>
    %add3A_968 = arith.addf %add3A_958, %mul3A_967 : vector<16xf32>
    %swap3A_969 = arith.constant 368 : index
    %swap3A_970 = tpu.vector_load %arg8[%swap3A_969] {strides = array<i32>} : memref<512xf32, #tpu.memory_space<vmem>>, vector<16xf32>,
    tpu.vector_store %arg8[%swap3A_969], %add3A_968 {strides = array<i32>} : memref<512xf32, #tpu.memory_space<vmem>>, vector<16xf32>,
    %get3A_971 = arith.constant 384 : index
    %get3A_972 = tpu.vector_load %arg4[%get3A_971] {strides = array<i32>} : memref<512xf32, #tpu.memory_space<vmem>>, vector<16xf32>,
    %bitcast3A_973 = vector.bitcast %get3A_972 : vector<16xf32> to vector<16xi32>
    %mul3A_974 = arith.constant 3 : i32
    %mul3A_975 = vector.broadcast %mul3A_974 : i32 to vector<16xi32>
    %mul3A_976 = arith.muli %bitcast3A_973, %mul3A_975 : vector<16xi32>
    %get3A_977 = arith.constant 384 : index
    %get3A_978 = tpu.vector_load %arg5[%get3A_977] {strides = array<i32>} : memref<512xf32, #tpu.memory_space<vmem>>, vector<16xf32>,
    %bitcast3A_979 = vector.bitcast %get3A_978 : vector<16xf32> to vector<16xi32>
    %mul3A_980 = arith.constant 3 : i32
    %mul3A_981 = vector.broadcast %mul3A_980 : i32 to vector<16xi32>
    %mul3A_982 = arith.muli %bitcast3A_979, %mul3A_981 : vector<16xi32>
    %add3A_983 = arith.constant 4504 : i32
    %add3A_984 = vector.broadcast %add3A_983 : i32 to vector<16xi32>
    %add3A_985 = arith.addi %mul3A_982, %add3A_984 : vector<16xi32>
    %gather3A_986 = tpu.vector_load_idx %arg7[%mul3A_976] : memref<10624xf32, #tpu.memory_space<vmem>>[vector<16xi32>], vector<16xf32>,
    %gather3A_987 = tpu.vector_load_idx %arg7[%add3A_985] : memref<10624xf32, #tpu.memory_space<vmem>>[vector<16xi32>], vector<16xf32>,
    %mul3A_988 = arith.mulf %gather3A_986, %gather3A_987 : vector<16xf32>
    %add3A_989 = arith.constant 1 : i32
    %add3A_990 = vector.broadcast %add3A_989 : i32 to vector<16xi32>
    %add3A_991 = arith.addi %mul3A_976, %add3A_990 : vector<16xi32>
    %gather3A_992 = tpu.vector_load_idx %arg7[%add3A_991] : memref<10624xf32, #tpu.memory_space<vmem>>[vector<16xi32>], vector<16xf32>,
    %add3A_993 = arith.constant 1 : i32
    %add3A_994 = vector.broadcast %add3A_993 : i32 to vector<16xi32>
    %add3A_995 = arith.addi %add3A_985, %add3A_994 : vector<16xi32>
    %gather3A_996 = tpu.vector_load_idx %arg7[%add3A_995] : memref<10624xf32, #tpu.memory_space<vmem>>[vector<16xi32>], vector<16xf32>,
    %mul3A_997 = arith.mulf %gather3A_992, %gather3A_996 : vector<16xf32>
    %add3A_998 = arith.addf %mul3A_988, %mul3A_997 : vector<16xf32>
    %add3A_999 = arith.constant 2 : i32
    %add3A_1000 = vector.broadcast %add3A_999 : i32 to vector<16xi32>
    %add3A_1001 = arith.addi %mul3A_976, %add3A_1000 : vector<16xi32>
    %gather3A_1002 = tpu.vector_load_idx %arg7[%add3A_1001] : memref<10624xf32, #tpu.memory_space<vmem>>[vector<16xi32>], vector<16xf32>,
    %add3A_1003 = arith.constant 2 : i32
    %add3A_1004 = vector.broadcast %add3A_1003 : i32 to vector<16xi32>
    %add3A_1005 = arith.addi %add3A_985, %add3A_1004 : vector<16xi32>
    %gather3A_1006 = tpu.vector_load_idx %arg7[%add3A_1005] : memref<10624xf32, #tpu.memory_space<vmem>>[vector<16xi32>], vector<16xf32>,
    %mul3A_1007 = arith.mulf %gather3A_1002, %gather3A_1006 : vector<16xf32>
    %add3A_1008 = arith.addf %add3A_998, %mul3A_1007 : vector<16xf32>
    %swap3A_1009 = arith.constant 384 : index
    %swap3A_1010 = tpu.vector_load %arg8[%swap3A_1009] {strides = array<i32>} : memref<512xf32, #tpu.memory_space<vmem>>, vector<16xf32>,
    tpu.vector_store %arg8[%swap3A_1009], %add3A_1008 {strides = array<i32>} : memref<512xf32, #tpu.memory_space<vmem>>, vector<16xf32>,
    %get3A_1011 = arith.constant 400 : index
    %get3A_1012 = tpu.vector_load %arg4[%get3A_1011] {strides = array<i32>} : memref<512xf32, #tpu.memory_space<vmem>>, vector<16xf32>,
    %bitcast3A_1013 = vector.bitcast %get3A_1012 : vector<16xf32> to vector<16xi32>
    %mul3A_1014 = arith.constant 3 : i32
    %mul3A_1015 = vector.broadcast %mul3A_1014 : i32 to vector<16xi32>
    %mul3A_1016 = arith.muli %bitcast3A_1013, %mul3A_1015 : vector<16xi32>
    %get3A_1017 = arith.constant 400 : index
    %get3A_1018 = tpu.vector_load %arg5[%get3A_1017] {strides = array<i32>} : memref<512xf32, #tpu.memory_space<vmem>>, vector<16xf32>,
    %bitcast3A_1019 = vector.bitcast %get3A_1018 : vector<16xf32> to vector<16xi32>
    %mul3A_1020 = arith.constant 3 : i32
    %mul3A_1021 = vector.broadcast %mul3A_1020 : i32 to vector<16xi32>
    %mul3A_1022 = arith.muli %bitcast3A_1019, %mul3A_1021 : vector<16xi32>
    %add3A_1023 = arith.constant 4504 : i32
    %add3A_1024 = vector.broadcast %add3A_1023 : i32 to vector<16xi32>
    %add3A_1025 = arith.addi %mul3A_1022, %add3A_1024 : vector<16xi32>
    %gather3A_1026 = tpu.vector_load_idx %arg7[%mul3A_1016] : memref<10624xf32, #tpu.memory_space<vmem>>[vector<16xi32>], vector<16xf32>,
    %gather3A_1027 = tpu.vector_load_idx %arg7[%add3A_1025] : memref<10624xf32, #tpu.memory_space<vmem>>[vector<16xi32>], vector<16xf32>,
    %mul3A_1028 = arith.mulf %gather3A_1026, %gather3A_1027 : vector<16xf32>
    %add3A_1029 = arith.constant 1 : i32
    %add3A_1030 = vector.broadcast %add3A_1029 : i32 to vector<16xi32>
    %add3A_1031 = arith.addi %mul3A_1016, %add3A_1030 : vector<16xi32>
    %gather3A_1032 = tpu.vector_load_idx %arg7[%add3A_1031] : memref<10624xf32, #tpu.memory_space<vmem>>[vector<16xi32>], vector<16xf32>,
    %add3A_1033 = arith.constant 1 : i32
    %add3A_1034 = vector.broadcast %add3A_1033 : i32 to vector<16xi32>
    %add3A_1035 = arith.addi %add3A_1025, %add3A_1034 : vector<16xi32>
    %gather3A_1036 = tpu.vector_load_idx %arg7[%add3A_1035] : memref<10624xf32, #tpu.memory_space<vmem>>[vector<16xi32>], vector<16xf32>,
    %mul3A_1037 = arith.mulf %gather3A_1032, %gather3A_1036 : vector<16xf32>
    %add3A_1038 = arith.addf %mul3A_1028, %mul3A_1037 : vector<16xf32>
    %add3A_1039 = arith.constant 2 : i32
    %add3A_1040 = vector.broadcast %add3A_1039 : i32 to vector<16xi32>
    %add3A_1041 = arith.addi %mul3A_1016, %add3A_1040 : vector<16xi32>
    %gather3A_1042 = tpu.vector_load_idx %arg7[%add3A_1041] : memref<10624xf32, #tpu.memory_space<vmem>>[vector<16xi32>], vector<16xf32>,
    %add3A_1043 = arith.constant 2 : i32
    %add3A_1044 = vector.broadcast %add3A_1043 : i32 to vector<16xi32>
    %add3A_1045 = arith.addi %add3A_1025, %add3A_1044 : vector<16xi32>
    %gather3A_1046 = tpu.vector_load_idx %arg7[%add3A_1045] : memref<10624xf32, #tpu.memory_space<vmem>>[vector<16xi32>], vector<16xf32>,
    %mul3A_1047 = arith.mulf %gather3A_1042, %gather3A_1046 : vector<16xf32>
    %add3A_1048 = arith.addf %add3A_1038, %mul3A_1047 : vector<16xf32>
    %swap3A_1049 = arith.constant 400 : index
    %swap3A_1050 = tpu.vector_load %arg8[%swap3A_1049] {strides = array<i32>} : memref<512xf32, #tpu.memory_space<vmem>>, vector<16xf32>,
    tpu.vector_store %arg8[%swap3A_1049], %add3A_1048 {strides = array<i32>} : memref<512xf32, #tpu.memory_space<vmem>>, vector<16xf32>,
    %get3A_1051 = arith.constant 416 : index
    %get3A_1052 = tpu.vector_load %arg4[%get3A_1051] {strides = array<i32>} : memref<512xf32, #tpu.memory_space<vmem>>, vector<16xf32>,
    %bitcast3A_1053 = vector.bitcast %get3A_1052 : vector<16xf32> to vector<16xi32>
    %mul3A_1054 = arith.constant 3 : i32
    %mul3A_1055 = vector.broadcast %mul3A_1054 : i32 to vector<16xi32>
    %mul3A_1056 = arith.muli %bitcast3A_1053, %mul3A_1055 : vector<16xi32>
    %get3A_1057 = arith.constant 416 : index
    %get3A_1058 = tpu.vector_load %arg5[%get3A_1057] {strides = array<i32>} : memref<512xf32, #tpu.memory_space<vmem>>, vector<16xf32>,
    %bitcast3A_1059 = vector.bitcast %get3A_1058 : vector<16xf32> to vector<16xi32>
    %mul3A_1060 = arith.constant 3 : i32
    %mul3A_1061 = vector.broadcast %mul3A_1060 : i32 to vector<16xi32>
    %mul3A_1062 = arith.muli %bitcast3A_1059, %mul3A_1061 : vector<16xi32>
    %add3A_1063 = arith.constant 4504 : i32
    %add3A_1064 = vector.broadcast %add3A_1063 : i32 to vector<16xi32>
    %add3A_1065 = arith.addi %mul3A_1062, %add3A_1064 : vector<16xi32>
    %gather3A_1066 = tpu.vector_load_idx %arg7[%mul3A_1056] : memref<10624xf32, #tpu.memory_space<vmem>>[vector<16xi32>], vector<16xf32>,
    %gather3A_1067 = tpu.vector_load_idx %arg7[%add3A_1065] : memref<10624xf32, #tpu.memory_space<vmem>>[vector<16xi32>], vector<16xf32>,
    %mul3A_1068 = arith.mulf %gather3A_1066, %gather3A_1067 : vector<16xf32>
    %add3A_1069 = arith.constant 1 : i32
    %add3A_1070 = vector.broadcast %add3A_1069 : i32 to vector<16xi32>
    %add3A_1071 = arith.addi %mul3A_1056, %add3A_1070 : vector<16xi32>
    %gather3A_1072 = tpu.vector_load_idx %arg7[%add3A_1071] : memref<10624xf32, #tpu.memory_space<vmem>>[vector<16xi32>], vector<16xf32>,
    %add3A_1073 = arith.constant 1 : i32
    %add3A_1074 = vector.broadcast %add3A_1073 : i32 to vector<16xi32>
    %add3A_1075 = arith.addi %add3A_1065, %add3A_1074 : vector<16xi32>
    %gather3A_1076 = tpu.vector_load_idx %arg7[%add3A_1075] : memref<10624xf32, #tpu.memory_space<vmem>>[vector<16xi32>], vector<16xf32>,
    %mul3A_1077 = arith.mulf %gather3A_1072, %gather3A_1076 : vector<16xf32>
    %add3A_1078 = arith.addf %mul3A_1068, %mul3A_1077 : vector<16xf32>
    %add3A_1079 = arith.constant 2 : i32
    %add3A_1080 = vector.broadcast %add3A_1079 : i32 to vector<16xi32>
    %add3A_1081 = arith.addi %mul3A_1056, %add3A_1080 : vector<16xi32>
    %gather3A_1082 = tpu.vector_load_idx %arg7[%add3A_1081] : memref<10624xf32, #tpu.memory_space<vmem>>[vector<16xi32>], vector<16xf32>,
    %add3A_1083 = arith.constant 2 : i32
    %add3A_1084 = vector.broadcast %add3A_1083 : i32 to vector<16xi32>
    %add3A_1085 = arith.addi %add3A_1065, %add3A_1084 : vector<16xi32>
    %gather3A_1086 = tpu.vector_load_idx %arg7[%add3A_1085] : memref<10624xf32, #tpu.memory_space<vmem>>[vector<16xi32>], vector<16xf32>,
    %mul3A_1087 = arith.mulf %gather3A_1082, %gather3A_1086 : vector<16xf32>
    %add3A_1088 = arith.addf %add3A_1078, %mul3A_1087 : vector<16xf32>
    %swap3A_1089 = arith.constant 416 : index
    %swap3A_1090 = tpu.vector_load %arg8[%swap3A_1089] {strides = array<i32>} : memref<512xf32, #tpu.memory_space<vmem>>, vector<16xf32>,
    tpu.vector_store %arg8[%swap3A_1089], %add3A_1088 {strides = array<i32>} : memref<512xf32, #tpu.memory_space<vmem>>, vector<16xf32>,
    %get3A_1091 = arith.constant 432 : index
    %get3A_1092 = tpu.vector_load %arg4[%get3A_1091] {strides = array<i32>} : memref<512xf32, #tpu.memory_space<vmem>>, vector<16xf32>,
    %bitcast3A_1093 = vector.bitcast %get3A_1092 : vector<16xf32> to vector<16xi32>
    %mul3A_1094 = arith.constant 3 : i32
    %mul3A_1095 = vector.broadcast %mul3A_1094 : i32 to vector<16xi32>
    %mul3A_1096 = arith.muli %bitcast3A_1093, %mul3A_1095 : vector<16xi32>
    %get3A_1097 = arith.constant 432 : index
    %get3A_1098 = tpu.vector_load %arg5[%get3A_1097] {strides = array<i32>} : memref<512xf32, #tpu.memory_space<vmem>>, vector<16xf32>,
    %bitcast3A_1099 = vector.bitcast %get3A_1098 : vector<16xf32> to vector<16xi32>
    %mul3A_1100 = arith.constant 3 : i32
    %mul3A_1101 = vector.broadcast %mul3A_1100 : i32 to vector<16xi32>
    %mul3A_1102 = arith.muli %bitcast3A_1099, %mul3A_1101 : vector<16xi32>
    %add3A_1103 = arith.constant 4504 : i32
    %add3A_1104 = vector.broadcast %add3A_1103 : i32 to vector<16xi32>
    %add3A_1105 = arith.addi %mul3A_1102, %add3A_1104 : vector<16xi32>
    %gather3A_1106 = tpu.vector_load_idx %arg7[%mul3A_1096] : memref<10624xf32, #tpu.memory_space<vmem>>[vector<16xi32>], vector<16xf32>,
    %gather3A_1107 = tpu.vector_load_idx %arg7[%add3A_1105] : memref<10624xf32, #tpu.memory_space<vmem>>[vector<16xi32>], vector<16xf32>,
    %mul3A_1108 = arith.mulf %gather3A_1106, %gather3A_1107 : vector<16xf32>
    %add3A_1109 = arith.constant 1 : i32
    %add3A_1110 = vector.broadcast %add3A_1109 : i32 to vector<16xi32>
    %add3A_1111 = arith.addi %mul3A_1096, %add3A_1110 : vector<16xi32>
    %gather3A_1112 = tpu.vector_load_idx %arg7[%add3A_1111] : memref<10624xf32, #tpu.memory_space<vmem>>[vector<16xi32>], vector<16xf32>,
    %add3A_1113 = arith.constant 1 : i32
    %add3A_1114 = vector.broadcast %add3A_1113 : i32 to vector<16xi32>
    %add3A_1115 = arith.addi %add3A_1105, %add3A_1114 : vector<16xi32>
    %gather3A_1116 = tpu.vector_load_idx %arg7[%add3A_1115] : memref<10624xf32, #tpu.memory_space<vmem>>[vector<16xi32>], vector<16xf32>,
    %mul3A_1117 = arith.mulf %gather3A_1112, %gather3A_1116 : vector<16xf32>
    %add3A_1118 = arith.addf %mul3A_1108, %mul3A_1117 : vector<16xf32>
    %add3A_1119 = arith.constant 2 : i32
    %add3A_1120 = vector.broadcast %add3A_1119 : i32 to vector<16xi32>
    %add3A_1121 = arith.addi %mul3A_1096, %add3A_1120 : vector<16xi32>
    %gather3A_1122 = tpu.vector_load_idx %arg7[%add3A_1121] : memref<10624xf32, #tpu.memory_space<vmem>>[vector<16xi32>], vector<16xf32>,
    %add3A_1123 = arith.constant 2 : i32
    %add3A_1124 = vector.broadcast %add3A_1123 : i32 to vector<16xi32>
    %add3A_1125 = arith.addi %add3A_1105, %add3A_1124 : vector<16xi32>
    %gather3A_1126 = tpu.vector_load_idx %arg7[%add3A_1125] : memref<10624xf32, #tpu.memory_space<vmem>>[vector<16xi32>], vector<16xf32>,
    %mul3A_1127 = arith.mulf %gather3A_1122, %gather3A_1126 : vector<16xf32>
    %add3A_1128 = arith.addf %add3A_1118, %mul3A_1127 : vector<16xf32>
    %swap3A_1129 = arith.constant 432 : index
    %swap3A_1130 = tpu.vector_load %arg8[%swap3A_1129] {strides = array<i32>} : memref<512xf32, #tpu.memory_space<vmem>>, vector<16xf32>,
    tpu.vector_store %arg8[%swap3A_1129], %add3A_1128 {strides = array<i32>} : memref<512xf32, #tpu.memory_space<vmem>>, vector<16xf32>,
    %get3A_1131 = arith.constant 448 : index
    %get3A_1132 = tpu.vector_load %arg4[%get3A_1131] {strides = array<i32>} : memref<512xf32, #tpu.memory_space<vmem>>, vector<16xf32>,
    %bitcast3A_1133 = vector.bitcast %get3A_1132 : vector<16xf32> to vector<16xi32>
    %mul3A_1134 = arith.constant 3 : i32
    %mul3A_1135 = vector.broadcast %mul3A_1134 : i32 to vector<16xi32>
    %mul3A_1136 = arith.muli %bitcast3A_1133, %mul3A_1135 : vector<16xi32>
    %get3A_1137 = arith.constant 448 : index
    %get3A_1138 = tpu.vector_load %arg5[%get3A_1137] {strides = array<i32>} : memref<512xf32, #tpu.memory_space<vmem>>, vector<16xf32>,
    %bitcast3A_1139 = vector.bitcast %get3A_1138 : vector<16xf32> to vector<16xi32>
    %mul3A_1140 = arith.constant 3 : i32
    %mul3A_1141 = vector.broadcast %mul3A_1140 : i32 to vector<16xi32>
    %mul3A_1142 = arith.muli %bitcast3A_1139, %mul3A_1141 : vector<16xi32>
    %add3A_1143 = arith.constant 4504 : i32
    %add3A_1144 = vector.broadcast %add3A_1143 : i32 to vector<16xi32>
    %add3A_1145 = arith.addi %mul3A_1142, %add3A_1144 : vector<16xi32>
    %gather3A_1146 = tpu.vector_load_idx %arg7[%mul3A_1136] : memref<10624xf32, #tpu.memory_space<vmem>>[vector<16xi32>], vector<16xf32>,
    %gather3A_1147 = tpu.vector_load_idx %arg7[%add3A_1145] : memref<10624xf32, #tpu.memory_space<vmem>>[vector<16xi32>], vector<16xf32>,
    %mul3A_1148 = arith.mulf %gather3A_1146, %gather3A_1147 : vector<16xf32>
    %add3A_1149 = arith.constant 1 : i32
    %add3A_1150 = vector.broadcast %add3A_1149 : i32 to vector<16xi32>
    %add3A_1151 = arith.addi %mul3A_1136, %add3A_1150 : vector<16xi32>
    %gather3A_1152 = tpu.vector_load_idx %arg7[%add3A_1151] : memref<10624xf32, #tpu.memory_space<vmem>>[vector<16xi32>], vector<16xf32>,
    %add3A_1153 = arith.constant 1 : i32
    %add3A_1154 = vector.broadcast %add3A_1153 : i32 to vector<16xi32>
    %add3A_1155 = arith.addi %add3A_1145, %add3A_1154 : vector<16xi32>
    %gather3A_1156 = tpu.vector_load_idx %arg7[%add3A_1155] : memref<10624xf32, #tpu.memory_space<vmem>>[vector<16xi32>], vector<16xf32>,
    %mul3A_1157 = arith.mulf %gather3A_1152, %gather3A_1156 : vector<16xf32>
    %add3A_1158 = arith.addf %mul3A_1148, %mul3A_1157 : vector<16xf32>
    %add3A_1159 = arith.constant 2 : i32
    %add3A_1160 = vector.broadcast %add3A_1159 : i32 to vector<16xi32>
    %add3A_1161 = arith.addi %mul3A_1136, %add3A_1160 : vector<16xi32>
    %gather3A_1162 = tpu.vector_load_idx %arg7[%add3A_1161] : memref<10624xf32, #tpu.memory_space<vmem>>[vector<16xi32>], vector<16xf32>,
    %add3A_1163 = arith.constant 2 : i32
    %add3A_1164 = vector.broadcast %add3A_1163 : i32 to vector<16xi32>
    %add3A_1165 = arith.addi %add3A_1145, %add3A_1164 : vector<16xi32>
    %gather3A_1166 = tpu.vector_load_idx %arg7[%add3A_1165] : memref<10624xf32, #tpu.memory_space<vmem>>[vector<16xi32>], vector<16xf32>,
    %mul3A_1167 = arith.mulf %gather3A_1162, %gather3A_1166 : vector<16xf32>
    %add3A_1168 = arith.addf %add3A_1158, %mul3A_1167 : vector<16xf32>
    %swap3A_1169 = arith.constant 448 : index
    %swap3A_1170 = tpu.vector_load %arg8[%swap3A_1169] {strides = array<i32>} : memref<512xf32, #tpu.memory_space<vmem>>, vector<16xf32>,
    tpu.vector_store %arg8[%swap3A_1169], %add3A_1168 {strides = array<i32>} : memref<512xf32, #tpu.memory_space<vmem>>, vector<16xf32>,
    %get3A_1171 = arith.constant 464 : index
    %get3A_1172 = tpu.vector_load %arg4[%get3A_1171] {strides = array<i32>} : memref<512xf32, #tpu.memory_space<vmem>>, vector<16xf32>,
    %bitcast3A_1173 = vector.bitcast %get3A_1172 : vector<16xf32> to vector<16xi32>
    %mul3A_1174 = arith.constant 3 : i32
    %mul3A_1175 = vector.broadcast %mul3A_1174 : i32 to vector<16xi32>
    %mul3A_1176 = arith.muli %bitcast3A_1173, %mul3A_1175 : vector<16xi32>
    %get3A_1177 = arith.constant 464 : index
    %get3A_1178 = tpu.vector_load %arg5[%get3A_1177] {strides = array<i32>} : memref<512xf32, #tpu.memory_space<vmem>>, vector<16xf32>,
    %bitcast3A_1179 = vector.bitcast %get3A_1178 : vector<16xf32> to vector<16xi32>
    %mul3A_1180 = arith.constant 3 : i32
    %mul3A_1181 = vector.broadcast %mul3A_1180 : i32 to vector<16xi32>
    %mul3A_1182 = arith.muli %bitcast3A_1179, %mul3A_1181 : vector<16xi32>
    %add3A_1183 = arith.constant 4504 : i32
    %add3A_1184 = vector.broadcast %add3A_1183 : i32 to vector<16xi32>
    %add3A_1185 = arith.addi %mul3A_1182, %add3A_1184 : vector<16xi32>
    %gather3A_1186 = tpu.vector_load_idx %arg7[%mul3A_1176] : memref<10624xf32, #tpu.memory_space<vmem>>[vector<16xi32>], vector<16xf32>,
    %gather3A_1187 = tpu.vector_load_idx %arg7[%add3A_1185] : memref<10624xf32, #tpu.memory_space<vmem>>[vector<16xi32>], vector<16xf32>,
    %mul3A_1188 = arith.mulf %gather3A_1186, %gather3A_1187 : vector<16xf32>
    %add3A_1189 = arith.constant 1 : i32
    %add3A_1190 = vector.broadcast %add3A_1189 : i32 to vector<16xi32>
    %add3A_1191 = arith.addi %mul3A_1176, %add3A_1190 : vector<16xi32>
    %gather3A_1192 = tpu.vector_load_idx %arg7[%add3A_1191] : memref<10624xf32, #tpu.memory_space<vmem>>[vector<16xi32>], vector<16xf32>,
    %add3A_1193 = arith.constant 1 : i32
    %add3A_1194 = vector.broadcast %add3A_1193 : i32 to vector<16xi32>
    %add3A_1195 = arith.addi %add3A_1185, %add3A_1194 : vector<16xi32>
    %gather3A_1196 = tpu.vector_load_idx %arg7[%add3A_1195] : memref<10624xf32, #tpu.memory_space<vmem>>[vector<16xi32>], vector<16xf32>,
    %mul3A_1197 = arith.mulf %gather3A_1192, %gather3A_1196 : vector<16xf32>
    %add3A_1198 = arith.addf %mul3A_1188, %mul3A_1197 : vector<16xf32>
    %add3A_1199 = arith.constant 2 : i32
    %add3A_1200 = vector.broadcast %add3A_1199 : i32 to vector<16xi32>
    %add3A_1201 = arith.addi %mul3A_1176, %add3A_1200 : vector<16xi32>
    %gather3A_1202 = tpu.vector_load_idx %arg7[%add3A_1201] : memref<10624xf32, #tpu.memory_space<vmem>>[vector<16xi32>], vector<16xf32>,
    %add3A_1203 = arith.constant 2 : i32
    %add3A_1204 = vector.broadcast %add3A_1203 : i32 to vector<16xi32>
    %add3A_1205 = arith.addi %add3A_1185, %add3A_1204 : vector<16xi32>
    %gather3A_1206 = tpu.vector_load_idx %arg7[%add3A_1205] : memref<10624xf32, #tpu.memory_space<vmem>>[vector<16xi32>], vector<16xf32>,
    %mul3A_1207 = arith.mulf %gather3A_1202, %gather3A_1206 : vector<16xf32>
    %add3A_1208 = arith.addf %add3A_1198, %mul3A_1207 : vector<16xf32>
    %swap3A_1209 = arith.constant 464 : index
    %swap3A_1210 = tpu.vector_load %arg8[%swap3A_1209] {strides = array<i32>} : memref<512xf32, #tpu.memory_space<vmem>>, vector<16xf32>,
    tpu.vector_store %arg8[%swap3A_1209], %add3A_1208 {strides = array<i32>} : memref<512xf32, #tpu.memory_space<vmem>>, vector<16xf32>,
    %get3A_1211 = arith.constant 480 : index
    %get3A_1212 = tpu.vector_load %arg4[%get3A_1211] {strides = array<i32>} : memref<512xf32, #tpu.memory_space<vmem>>, vector<16xf32>,
    %bitcast3A_1213 = vector.bitcast %get3A_1212 : vector<16xf32> to vector<16xi32>
    %mul3A_1214 = arith.constant 3 : i32
    %mul3A_1215 = vector.broadcast %mul3A_1214 : i32 to vector<16xi32>
    %mul3A_1216 = arith.muli %bitcast3A_1213, %mul3A_1215 : vector<16xi32>
    %get3A_1217 = arith.constant 480 : index
    %get3A_1218 = tpu.vector_load %arg5[%get3A_1217] {strides = array<i32>} : memref<512xf32, #tpu.memory_space<vmem>>, vector<16xf32>,
    %bitcast3A_1219 = vector.bitcast %get3A_1218 : vector<16xf32> to vector<16xi32>
    %mul3A_1220 = arith.constant 3 : i32
    %mul3A_1221 = vector.broadcast %mul3A_1220 : i32 to vector<16xi32>
    %mul3A_1222 = arith.muli %bitcast3A_1219, %mul3A_1221 : vector<16xi32>
    %add3A_1223 = arith.constant 4504 : i32
    %add3A_1224 = vector.broadcast %add3A_1223 : i32 to vector<16xi32>
    %add3A_1225 = arith.addi %mul3A_1222, %add3A_1224 : vector<16xi32>
    %gather3A_1226 = tpu.vector_load_idx %arg7[%mul3A_1216] : memref<10624xf32, #tpu.memory_space<vmem>>[vector<16xi32>], vector<16xf32>,
    %gather3A_1227 = tpu.vector_load_idx %arg7[%add3A_1225] : memref<10624xf32, #tpu.memory_space<vmem>>[vector<16xi32>], vector<16xf32>,
    %mul3A_1228 = arith.mulf %gather3A_1226, %gather3A_1227 : vector<16xf32>
    %add3A_1229 = arith.constant 1 : i32
    %add3A_1230 = vector.broadcast %add3A_1229 : i32 to vector<16xi32>
    %add3A_1231 = arith.addi %mul3A_1216, %add3A_1230 : vector<16xi32>
    %gather3A_1232 = tpu.vector_load_idx %arg7[%add3A_1231] : memref<10624xf32, #tpu.memory_space<vmem>>[vector<16xi32>], vector<16xf32>,
    %add3A_1233 = arith.constant 1 : i32
    %add3A_1234 = vector.broadcast %add3A_1233 : i32 to vector<16xi32>
    %add3A_1235 = arith.addi %add3A_1225, %add3A_1234 : vector<16xi32>
    %gather3A_1236 = tpu.vector_load_idx %arg7[%add3A_1235] : memref<10624xf32, #tpu.memory_space<vmem>>[vector<16xi32>], vector<16xf32>,
    %mul3A_1237 = arith.mulf %gather3A_1232, %gather3A_1236 : vector<16xf32>
    %add3A_1238 = arith.addf %mul3A_1228, %mul3A_1237 : vector<16xf32>
    %add3A_1239 = arith.constant 2 : i32
    %add3A_1240 = vector.broadcast %add3A_1239 : i32 to vector<16xi32>
    %add3A_1241 = arith.addi %mul3A_1216, %add3A_1240 : vector<16xi32>
    %gather3A_1242 = tpu.vector_load_idx %arg7[%add3A_1241] : memref<10624xf32, #tpu.memory_space<vmem>>[vector<16xi32>], vector<16xf32>,
    %add3A_1243 = arith.constant 2 : i32
    %add3A_1244 = vector.broadcast %add3A_1243 : i32 to vector<16xi32>
    %add3A_1245 = arith.addi %add3A_1225, %add3A_1244 : vector<16xi32>
    %gather3A_1246 = tpu.vector_load_idx %arg7[%add3A_1245] : memref<10624xf32, #tpu.memory_space<vmem>>[vector<16xi32>], vector<16xf32>,
    %mul3A_1247 = arith.mulf %gather3A_1242, %gather3A_1246 : vector<16xf32>
    %add3A_1248 = arith.addf %add3A_1238, %mul3A_1247 : vector<16xf32>
    %swap3A_1249 = arith.constant 480 : index
    %swap3A_1250 = tpu.vector_load %arg8[%swap3A_1249] {strides = array<i32>} : memref<512xf32, #tpu.memory_space<vmem>>, vector<16xf32>,
    tpu.vector_store %arg8[%swap3A_1249], %add3A_1248 {strides = array<i32>} : memref<512xf32, #tpu.memory_space<vmem>>, vector<16xf32>,
    %get3A_1251 = arith.constant 496 : index
    %get3A_1252 = tpu.vector_load %arg4[%get3A_1251] {strides = array<i32>} : memref<512xf32, #tpu.memory_space<vmem>>, vector<16xf32>,
    %bitcast3A_1253 = vector.bitcast %get3A_1252 : vector<16xf32> to vector<16xi32>
    %mul3A_1254 = arith.constant 3 : i32
    %mul3A_1255 = vector.broadcast %mul3A_1254 : i32 to vector<16xi32>
    %mul3A_1256 = arith.muli %bitcast3A_1253, %mul3A_1255 : vector<16xi32>
    %get3A_1257 = arith.constant 496 : index
    %get3A_1258 = tpu.vector_load %arg5[%get3A_1257] {strides = array<i32>} : memref<512xf32, #tpu.memory_space<vmem>>, vector<16xf32>,
    %bitcast3A_1259 = vector.bitcast %get3A_1258 : vector<16xf32> to vector<16xi32>
    %mul3A_1260 = arith.constant 3 : i32
    %mul3A_1261 = vector.broadcast %mul3A_1260 : i32 to vector<16xi32>
    %mul3A_1262 = arith.muli %bitcast3A_1259, %mul3A_1261 : vector<16xi32>
    %add3A_1263 = arith.constant 4504 : i32
    %add3A_1264 = vector.broadcast %add3A_1263 : i32 to vector<16xi32>
    %add3A_1265 = arith.addi %mul3A_1262, %add3A_1264 : vector<16xi32>
    %gather3A_1266 = tpu.vector_load_idx %arg7[%mul3A_1256] : memref<10624xf32, #tpu.memory_space<vmem>>[vector<16xi32>], vector<16xf32>,
    %gather3A_1267 = tpu.vector_load_idx %arg7[%add3A_1265] : memref<10624xf32, #tpu.memory_space<vmem>>[vector<16xi32>], vector<16xf32>,
    %mul3A_1268 = arith.mulf %gather3A_1266, %gather3A_1267 : vector<16xf32>
    %add3A_1269 = arith.constant 1 : i32
    %add3A_1270 = vector.broadcast %add3A_1269 : i32 to vector<16xi32>
    %add3A_1271 = arith.addi %mul3A_1256, %add3A_1270 : vector<16xi32>
    %gather3A_1272 = tpu.vector_load_idx %arg7[%add3A_1271] : memref<10624xf32, #tpu.memory_space<vmem>>[vector<16xi32>], vector<16xf32>,
    %add3A_1273 = arith.constant 1 : i32
    %add3A_1274 = vector.broadcast %add3A_1273 : i32 to vector<16xi32>
    %add3A_1275 = arith.addi %add3A_1265, %add3A_1274 : vector<16xi32>
    %gather3A_1276 = tpu.vector_load_idx %arg7[%add3A_1275] : memref<10624xf32, #tpu.memory_space<vmem>>[vector<16xi32>], vector<16xf32>,
    %mul3A_1277 = arith.mulf %gather3A_1272, %gather3A_1276 : vector<16xf32>
    %add3A_1278 = arith.addf %mul3A_1268, %mul3A_1277 : vector<16xf32>
    %add3A_1279 = arith.constant 2 : i32
    %add3A_1280 = vector.broadcast %add3A_1279 : i32 to vector<16xi32>
    %add3A_1281 = arith.addi %mul3A_1256, %add3A_1280 : vector<16xi32>
    %gather3A_1282 = tpu.vector_load_idx %arg7[%add3A_1281] : memref<10624xf32, #tpu.memory_space<vmem>>[vector<16xi32>], vector<16xf32>,
    %add3A_1283 = arith.constant 2 : i32
    %add3A_1284 = vector.broadcast %add3A_1283 : i32 to vector<16xi32>
    %add3A_1285 = arith.addi %add3A_1265, %add3A_1284 : vector<16xi32>
    %gather3A_1286 = tpu.vector_load_idx %arg7[%add3A_1285] : memref<10624xf32, #tpu.memory_space<vmem>>[vector<16xi32>], vector<16xf32>,
    %mul3A_1287 = arith.mulf %gather3A_1282, %gather3A_1286 : vector<16xf32>
    %add3A_1288 = arith.addf %add3A_1278, %mul3A_1287 : vector<16xf32>
    %swap3A_1289 = arith.constant 496 : index
    %swap3A_1290 = tpu.vector_load %arg8[%swap3A_1289] {strides = array<i32>} : memref<512xf32, #tpu.memory_space<vmem>>, vector<16xf32>,
    tpu.vector_store %arg8[%swap3A_1289], %add3A_1288 {strides = array<i32>} : memref<512xf32, #tpu.memory_space<vmem>>, vector<16xf32>,
    "tpu.region"() ({
      %run_scoped3A = tpu.sem_alloc : memref<!tpu.dma_semaphore, #tpu.memory_space<semaphore_mem>>
      %dma_start3A_1291 = tpu.memref_slice %arg3[%mul3A_2] : memref<16384xf32, #tpu.memory_space<hbm>> -> memref<512xf32, #tpu.memory_space<hbm>>
      %dma_start3A_1292 = tpu.memref_slice %arg3[%mul3A_2] : memref<16384xf32, #tpu.memory_space<hbm>> -> memref<512xf32, #tpu.memory_space<hbm>>
      tpu.enqueue_dma source(%arg8 : memref<512xf32, #tpu.memory_space<vmem>>) target(%dma_start3A_1292 : memref<512xf32, #tpu.memory_space<hbm>>) target_semaphore(%run_scoped3A : memref<!tpu.dma_semaphore, #tpu.memory_space<semaphore_mem>>)
      %dma_wait3A_1293 = tpu.memref_slice %arg3[%mul3A_2] : memref<16384xf32, #tpu.memory_space<hbm>> -> memref<512xf32, #tpu.memory_space<hbm>>
      %dma_wait3A_1294 = tpu.memref_slice %arg3[%mul3A_2] : memref<16384xf32, #tpu.memory_space<hbm>> -> memref<512xf32, #tpu.memory_space<hbm>>
      tpu.wait_dma2 semaphore(%run_scoped3A : memref<!tpu.dma_semaphore, #tpu.memory_space<semaphore_mem>>) src(%arg8 : memref<512xf32, #tpu.memory_space<vmem>>) dst(%dma_wait3A_1294 : memref<512xf32, #tpu.memory_space<hbm>>)
      tpu.yield
    }) : () -> ()
    return
  }
}

</mosaic_0001>

<sc_bundles>
// kernel: kernel.3.cloned.1.call-start
scs
__scs_entry_jumppad:
0x0: {  	(pc) =	sbr.rel $0x88, $3  }
0x1: {  	(tag) =	ssettag $0x0;
	lr =	simm.s32 $0x1  }
0x2: {  	[smem:$0x3F9E] =	sst lr;
	_ =	strace $0xD0000000  }
0x3: {  	_ = 	snop  }
0x4: {  	_ = 	snop  }
0x5: {  	_ = 	snop  }
0x6: {  	_ = 	snop  }
0x7: {  	_ = 	snop  }
__scs_overlays_trampoline_lowered:
0x8: {  	[smem:$0x3FAD] =	sst s0  }
0x9: {  	[smem:$0x3FAE] =	sst s1  }
0xa: {  	[smem:$0x3FAF] =	sst s2  }
0xb: {  	[smem:$0x3FB0] =	sst s3  }
0xc: {  	[smem:$0x3FB1] =	sst s4  }
0xd: {  	[smem:$0x3FB2] =	sst s5  }
0xe: {  	[smem:$0x3FB3] =	sst s6  }
0xf: {  	[smem:$0x3FB4] =	sst s7  }
0x10: {  	[smem:$0x3FB5] =	sst s8  }
0x11: {  	[smem:$0x3FB6] =	sst s9;
	s0 =	simm.s32 @!p0 $0x0  }
0x12: {  	s1 =	sld [smem:$0x3F9C];
	s0 =	simm.s32 @p0 $0x1  }
0x13: {  	[smem:$0x3FB7] =	sst s0;
	s0 =	simm.s32 @!p1 $0x0  }
0x14: {  	s2 =	sld [smem:$0x3F9B];
	s0 =	simm.s32 @p1 $0x1  }
0x15: {  	[smem:$0x3FB8] =	sst s0;
	s0 =	simm.s32 @!p2 $0x0  }
0x16: {  	s3 =	sld [smem:$0x3FDB];
	s0 =	simm.s32 @p2 $0x1  }
0x17: {  	s4 =	simm.s32 $0x1BF5;
	[smem:$0x3FBA] =	sst s0  }
0x18: {  	s0 =	sld [smem:$0x3F9D];
	_ =	swait.ge [sflag:s4], $0x0  }
0x19: {  	s7 =	sld [smem:$0x3F9E]  }
0x1a: {  	s8 =	sadd.s32 $0xFFFFE003, lr  }
0x1b: {  	s9 =	sadd.s32 $0xFFFFFEF7, lr;
	s5 =	simm.s32 $0xFFFFFFFF;
	p2 =	slt.u32 s8, $0xFFFFF086  }
0x1c: {  	p1 =	slt.u32 s9, $0xF7A;
	s5 =	simm.s32 @!p2 $0x0  }
0x1d: {  	s5 =	simm.s32 @p1 $0x1;
	p0 =	seq.s32 s7, s2  }
0x1e: {  	s7 =	smul.u32 @!p0 $0xF7A, s2;
	p2 =	seq.s32 @!p0 s5, $0x0  }
0x1f: {  	s9 =	smul.u32 $0xF7A, s1;
	s8 =	simm.s32 @!p0 $0x1BF5;
	p2 =	por !p2, p0  }
0x20: {  	[sflag:s8] =	ssyncset.s32 @!p0 $0xFFFFF086;
	s6 =	sadd.s32 @!p0 s3, s7;
	s7 =	simm.s32 @!p0 $0x108  }
0x21: {  	s3 =	sadd.s32 s3, s9;
	s6 =	sadd.s32 @!p0 $0x88, s6;
	s7 =	simm.s32 @p2 $0x1082  }
0x22: {  	[simem:s7], [sflag:s8] =	dma.local @!p0 [hbm:s6], $0xF7A  }
0x23: {  	s9 =	sor.u32 $0xD0000000, s2;
	s6 =	simm.s32 $0x108;
	_ =	swait.ge @!p0 [sflag:s8], $0x0  }
0x24: {  	s3 =	sadd.s32 $0x88, s3;
	s6 =	simm.s32 @!p1 $0x1082;
	[sflag:s4] =	ssyncset.s32 $0xFFFFF086  }
0x25: {  	[simem:s6], [sflag:s4] =	dma.local [hbm:s3], $0xF7A  }
0x26: {  	[smem:$0x3F9E] =	sst s1;
	(tag) =	ssettag s2;
	_ =	strace s9  }
0x27: {  	s1 =	sld [smem:$0x3FAE]  }
0x28: {  	s2 =	sld [smem:$0x3FAF]  }
0x29: {  	s4 =	sld [smem:$0x3FB1]  }
0x2a: {  	p0 =	seq.s32 s5, $0x0;
	s5 =	sld [smem:$0x3FB2]  }
0x2b: {  	s6 =	sld [smem:$0x3FB3]  }
0x2c: {  	s7 =	sld [smem:$0x3FB4]  }
0x2d: {  	s3 =	simm.s32 $0x108;
	s8 =	sld [smem:$0x3FB5]  }
0x2e: {  	s3 =	simm.s32 @!p0 $0x1082;
	s9 =	sld [smem:$0x3FB6]  }
0x2f: {  	lr =	sadd.s32 s0, s3;
	s0 =	sld [smem:$0x3FAD]  }
0x30: {  	s3 =	sld [smem:$0x3FB0]  }
0x31: {  	[smem:$0x3FB9] =	sst s10  }
0x32: {  	s10 =	sld [smem:$0x3FB7];
	_ =	sdelay $0x3  }
0x33: {  	p0 =	seq.s32 s10, $0x1;
	s10 =	sld [smem:$0x3FB9];
	_ =	sdelay $0x3  }
0x34: {  	[smem:$0x3FB9] =	sst s10  }
0x35: {  	s10 =	sld [smem:$0x3FB8];
	_ =	sdelay $0x3  }
0x36: {  	p1 =	seq.s32 s10, $0x1;
	s10 =	sld [smem:$0x3FB9];
	_ =	sdelay $0x3  }
0x37: {  	[smem:$0x3FB9] =	sst s10  }
0x38: {  	s10 =	sld [smem:$0x3FBA]  }
0x39: {  	_ = 	snop;
	(pc) =	sbr.ind lr, $3  }
0x3a: {  	_ = 	snop  }
0x3b: {  	_ = 	snop  }
0x3c: {  	p2 =	seq.s32 s10, $0x1;
	s10 =	sld [smem:$0x3FB9]  }
0x3d: {  	_ =	shalt  }
0x3e: {  	_ =	shalt  }
0x3f: {  	_ =	shalt  }
0x40: {  	_ =	shalt  }
0x41: {  	_ =	shalt  }
0x42: {  	_ =	shalt  }
0x43: {  	_ =	shalt  }
0x44: {  	_ =	shalt  }
0x45: {  	_ =	shalt  }
0x46: {  	_ =	shalt  }
0x47: {  	_ =	shalt  }
0x48: {  	_ =	shalt  }
0x49: {  	_ =	shalt  }
0x4a: {  	_ =	shalt  }
0x4b: {  	_ =	shalt  }
0x4c: {  	_ =	shalt  }
0x4d: {  	_ =	shalt  }
0x4e: {  	_ =	shalt  }
0x4f: {  	_ =	shalt  }
0x50: {  	_ =	shalt  }
0x51: {  	_ =	shalt  }
0x52: {  	_ =	shalt  }
0x53: {  	_ =	shalt  }
0x54: {  	_ =	shalt  }
0x55: {  	_ =	shalt  }
0x56: {  	_ =	shalt  }
0x57: {  	_ =	shalt  }
0x58: {  	_ =	shalt  }
0x59: {  	_ =	shalt  }
0x5a: {  	_ =	shalt  }
0x5b: {  	_ =	shalt  }
0x5c: {  	_ =	shalt  }
0x5d: {  	_ =	shalt  }
0x5e: {  	_ =	shalt  }
0x5f: {  	_ =	shalt  }
0x60: {  	_ =	shalt  }
0x61: {  	_ =	shalt  }
0x62: {  	_ =	shalt  }
0x63: {  	_ =	shalt  }
0x64: {  	_ =	shalt  }
0x65: {  	_ =	shalt  }
0x66: {  	_ =	shalt  }
0x67: {  	_ =	shalt  }
0x68: {  	_ =	shalt  }
0x69: {  	_ =	shalt  }
0x6a: {  	_ =	shalt  }
0x6b: {  	_ =	shalt  }
0x6c: {  	_ =	shalt  }
0x6d: {  	_ =	shalt  }
0x6e: {  	_ =	shalt  }
0x6f: {  	_ =	shalt  }
0x70: {  	_ =	shalt  }
0x71: {  	_ =	shalt  }
0x72: {  	_ =	shalt  }
0x73: {  	_ =	shalt  }
0x74: {  	_ =	shalt  }
0x75: {  	_ =	shalt  }
0x76: {  	_ =	shalt  }
0x77: {  	_ =	shalt  }
0x78: {  	_ =	shalt  }
0x79: {  	_ =	shalt  }
0x7a: {  	_ =	shalt  }
0x7b: {  	_ =	shalt  }
0x7c: {  	_ =	shalt  }
0x7d: {  	_ =	shalt  }
0x7e: {  	_ =	shalt  }
0x7f: {  	_ =	shalt  }
0x80: {  	_ =	shalt  }
0x81: {  	_ =	shalt  }
0x82: {  	_ =	shalt  }
0x83: {  	_ =	shalt  }
0x84: {  	_ =	shalt  }
0x85: {  	_ =	shalt  }
0x86: {  	_ =	shalt  }
0x87: {  	_ =	shalt  }
.Lfunc_end0:
.L_simem_size_0:
called_computation_lowered:
.L_overlay_start_0:
0x88: {  	s2 =	sld [smem:$0x3FD9]  }
0x89: {  	s3 =	sld [smem:$0x3FFE];
	_ =	sdelay $0x1  }
0x8a: {  	s1 =	srdreg.scid  }
0x8b: {  	s0 =	sand.u32 $0x1, s1  }
0x8c: {  	s17 =	sshll.u32 s0, $0xA;
	s2 =	sadd.s32 s3, s2  }
0x8d: {  	s2 =	sadd.s32 s2, s17  }
0x8e: {  	[smem:$0x3FC5] =	sst s2  }
0x8f: {  	_ = 	snop  }
0x90: {  	s2 =	sld [smem:$0x3FD0];
	(tm) =	ssettm $0x1  }
0x91: {  	s18 =	sld [smem:$0x3FFB];
	_ =	sdelay $0x3  }
0x92: {  	_ =	strace s18  }
0x93: {  	s3 =	sld [smem:$0x3FFC];
	_ =	sdelay $0x3  }
0x94: {  	_ =	strace s3  }
0x95: {  	s3 =	sld [smem:$0x3FFD];
	_ =	sdelay $0x3  }
0x96: {  	_ =	strace s3  }
0x97: {  	_ =	strace $0x8FFFFFFF  }
0x98: {  	s19 =	sld [smem:$0x3FDB];
	_ =	sdelay $0x1  }
0x99: {  	s4 =	simm.s32 $_scs_section_size  }
0x9a: {  	s5 =	simm.s32 $_size__tile_overlayer_lowered;
	s6 =	simm.s32 $_tile_overlayer_lowered  }
0x9b: {  	s22 =	simm.s32 $0x1BFF;
	s21 =	sshll.u32 s6, $0x1;
	s3 =	sadd.s32 s4, s19  }
0x9c: {  	s7 =	simm.s32 $0x0;
	s20 =	sshll.u32 s5, $0x1;
	s5 =	sadd.s32 s21, s3  }
0x9d: {  	[timem:s7], [sflag:s22] =	dma.local [hbm:s5], s20  }
0x9e: {  	_ =	swait.ge [sflag:s22], s20  }
0x9f: {  	s4 =	ssub.s32 $0x0, s20;
	[sflag:s22] =	ssyncset.done $0x0  }
0xa0: {  	[sflag:s22] =	ssyncadd.s32 s4;
	_ =	sdelay $0x1  }
0xa1: {  	s23 =	simm.s32 $0x1B8B  }
0xa2: {  	_ =	swait.ge [sflag:s23], $0x1  }
0xa3: {  	[sflag:s23] =	ssyncset.done $0x0  }
0xa4: {  	s25 =	simm.s32 $0x1B8E;
	s24 =	sld [smem:$0x3FFE];
	[sflag:s23] =	ssyncadd.s32 $0xFFFFFFFF  }
0xa5: {  	s26 =	simm.s32 $execute0_lowered;
	[smem:$0x3FD2] =	sst s25  }
0xa6: {  	s5 =	sshll.u32 s26, $0x1;
	_ =	strace $0x80000046;
	[dreg:$0x1] =	wrdreg $0xFFFFFFFF  }
0xa7: {  	s28 =	simm.s32 $_size_execute0_lowered;
	s3 =	sadd.s32 s3, s5;
	[dreg:$0x0] =	wrdreg $0x0  }
0xa8: {  	s5 =	sshll.u32 s28, $0x1;
	[dreg:$0x2] =	wrdreg s3  }
0xa9: {  	[dreg:$0x3] =	wrdreg s5  }
0xaa: {  	[dreg:$0x4] =	wrdreg $0xC0  }
0xab: {  	_ =	task [dreg:s7], $0x5FFFF  }
0xac: {  	[dreg:$0x1] =	wrdreg $0xFFFFFFFF  }
0xad: {  	[dreg:$0x0] =	wrdreg $0x60  }
0xae: {  	[dreg:$0x2] =	wrdreg s24  }
0xaf: {  	[dreg:$0x3] =	wrdreg s2  }
0xb0: {  	[dreg:$0x4] =	wrdreg $0x4000  }
0xb1: {  	[dreg:$0x5] =	wrdreg $0x9  }
0xb2: {  	_ =	task.clear_ibuf [dreg:s7], $0x6FFFF;
	_ =	strace $0x90000046  }
0xb3: {  	s29 =	simm.s32 $0x9;
	_ =	strace $0x80000048  }
0xb4: {  	_ =	swait.ge [sflag:s29], $0x1  }
0xb5: {  	[sflag:s29] =	ssyncadd.s32 $0xFFFFFFFF  }
0xb6: {  	_ =	strace $0x90000048  }
0xb7: {  	_ =	sfence  }
0xb8: {  	s30 =	sld [smem:$0x0];
	_ =	sdelay $0x2  }
0xb9: {  	s31 =	sshll.u32 s1, $0xD;
	s1 =	sshrl.u32 s1, $0x2  }
0xba: {  	s3 =	sand.u32 $0x4000, s31;
	s1 =	sadd.s32 s1, s30  }
0xbb: {  	s0 =	sor.u32 s3, s0;
	s1 =	sshll.u32 s1, $0x11  }
0xbc: {  	s0 =	sor.u32 s1, s0  }
0xbd: {  	s0 =	sadd.s32 $0x8F2B, s0  }
0xbe: {  	[sflag:s0] =	ssyncadd.remote.s32 $0x1  }
0xbf: {  	_ =	sfence.sel $0xFFFF  }
0xc0: {  	[dreg:$0x0] =	wrdreg $0xFFFFFFFF;
	(pc) =	sbr.abs _section_cstart, $3  }
0xc1: {  	[dreg:$0x1] =	wrdreg $0xFFFFFFFF  }
0xc2: {  	_ =	task.clear_ibuf [dreg:s7], $0x2FFFF;
	_ =	strace $0x9FFFFFFF  }
0xc3: {  	(tm) =	ssettm $0x7FFFFFFF  }
tec
execute0_lowered:
.L_overlay_start_1:
0x0: {  	(tag) =	ssettag $0x1  }
0x1: {  	s4 =	rddreg [dreg:$0x0]  }
0x2: {  	s8 =	rddreg [dreg:$0x1]  }
0x3: {  	s1 =	rddreg [dreg:$0x2]  }
0x4: {  	s0 =	rddreg [dreg:$0x3]  }
0x5: {  	s3 =	simm.s32 $0x0;
	s5 =	srdreg.scid;
	s2 =	stileid.u32  }
0x6: {  	s14 =	simm.s32 $0x1;
	s15 =	simm.s32 $0x3018;
	[smem:$0x7FF] =	sst s3  }
0x7: {  	s5 =	sand.u32 $0x1, s5;
	s6 =	sshll.u32 s2, $0x7;
	s9 =	smul.u32 $0x298, s2  }
0x8: {  	s10 =	sadd.s32 $0x800, s4;
	s31 =	sshll.u32 s2, $0x6;
	s7 =	sshll.u32 s5, $0x6  }
0x9: {  	_ =	strace $0x80000047;
	s5 =	ssub.s32 $0x2, s5;
	s11 =	sor.u32 s7, s6  }
0xa: {  	s28 =	sshrl.u32 s5, $0x1;
	s29 =	sshrl.u32 s9, $0x3;
	s13 =	sadd.s32 s9, s1  }
0xb: {  	s7 =	sor.u32 $0x1C02, s31;
	s4 =	sadd.s32 s10, s11;
	s12 =	ssub.s32 s5, s28  }
0xc: {  	s30 =	sadd.s32 s29, s10;
	s8 =	sadd.s32 s8, s11;
	s10 =	simm.s32 $0x200  }
0xd: {  	s11 =	sshrl.u32 s13, $0x3;
	s13 =	simm.s32 $0x698;
	s5 =	sadd.s32 $0x800, s4  }
0xe: {  	s6 =	sadd.s32 $0x1000, s30;
	s9 =	smax.u32 s12, $0x1;
	s12 =	simm.s32 $0x2  }
.LBB2_1:
0xf: {  	[tilespmem:s3], [sflag:$0x1] =	stream.linear.gather [hbm4b:s4+s3], $0x200, $0x38;
	[tilespmem:$0x3218] =	vst v63  }
0x10: {  	_ = 	snop  }
0x11: {  	[tilespmem:s10], [sflag:$0x1] =	stream.linear.gather [hbm4b:s5+s3], $0x200, $0x38;
	[tilespmem:$0x3218] =	vst v63  }
0x12: {  	[spmem:s11], [sflag:s7] =	dma.local [hbm:s6], $0x53  }
0x13: {  	_ =	swait.ge [sflag:s12], $0x53  }
0x14: {  	[sflag:s12] =	ssyncset.done $0x0  }
0x15: {  	[sflag:s12] =	ssyncadd.s32 $0xFFFFFFAD  }
0x16: {  	[bflag:$0x0] =	sbarrier.arrive $0xFFFF  }
0x17: {  	[tilespmem:s13], [sflag:$0x2] =	stream.linear.gather [spmem:s1], $0x2980, $0x38;
	[tilespmem:$0x3218] =	vst v63  }
0x18: {  	_ =	swait.ge [sflag:s12], $0x2980  }
0x19: {  	[sflag:s12] =	ssyncset.done $0x0  }
0x1a: {  	[sflag:s12] =	ssyncadd.s32 $0xFFFFD680  }
0x1b: {  	_ =	swait.ge [sflag:s14], $0x200  }
0x1c: {  	[sflag:s14] =	ssyncset.done $0x0  }
0x1d: {  	[sflag:s14] =	ssyncadd.s32 $0xFFFFFE00  }
0x1e: {  	_ =	swait.ge [sflag:s14], $0x200  }
0x1f: {  	[sflag:s14] =	ssyncset.done $0x0  }
0x20: {  	[sflag:s14] =	ssyncadd.s32 $0xFFFFFE00  }
0x21: {  	v0 =	vld [tilespmem:$0x0]  }
0x22: {  	v1 =	vld [tilespmem:$0x200];
	_ =	sdelay $0x4  }
0x23: {  	v0 =	vmul.u32 $0x3, v0;
	v1 =	vmul.u32 $0x3, v1;
	_ =	sdelay $0x1  }
0x24: {  	v2 =	vadd.s32 $0x1198, v1  }
0x25: {  	v3 =	vadd.s32 $0x1, v0  }
0x26: {  	v6 =	vld [tilespmem:$0x10];
	v4 =	vadd.s32 $0x1199, v1  }
0x27: {  	v7 =	vld [tilespmem:$0x210];
	v5 =	vadd.s32 $0x2, v0  }
0x28: {  	v1 =	vadd.s32 $0x119A, v1;
	v0 =	vld.idx.msk [tilespmem:v0+s13+$0x0], $0xffff  }
0x29: {  	v2 =	vld.idx.msk [tilespmem:v2+s13+$0x0], $0xffff  }
0x2a: {  	v3 =	vld.idx.msk [tilespmem:v3+s13+$0x0], $0xffff  }
0x2b: {  	v4 =	vld.idx.msk [tilespmem:v4+s13+$0x0], $0xffff  }
0x2c: {  	v5 =	vld.idx.msk [tilespmem:v5+s13+$0x0], $0xffff  }
0x2d: {  	v1 =	vld.idx.msk [tilespmem:v1+s13+$0x0], $0xffff;
	_ =	sdelay $0x2  }
0x2e: {  	v0 =	vmul.f32 v2, v0;
	v39 =	vmul.f32 v4, v3  }
0x2f: {  	v40 =	vmul.u32 $0x3, v6;
	v41 =	vmul.u32 $0x3, v7  }
0x30: {  	v1 =	vmul.f32 v1, v5;
	v0 =	vadd.f32 v39, v0  }
0x31: {  	v42 =	vadd.s32 $0x1198, v41  }
0x32: {  	v43 =	vadd.s32 $0x1, v40;
	v0 =	vadd.f32 v1, v0  }
0x33: {  	v46 =	vld [tilespmem:$0x20];
	v44 =	vadd.s32 $0x1199, v41  }
0x34: {  	v47 =	vld [tilespmem:$0x220];
	v45 =	vadd.s32 $0x2, v40;
	[tilespmem:$0x3018] =	vst v0  }
0x35: {  	v4 =	vadd.s32 $0x119A, v41;
	v3 =	vld.idx.msk [tilespmem:v40+s13+$0x0], $0xffff  }
0x36: {  	v2 =	vld.idx.msk [tilespmem:v42+s13+$0x0], $0xffff  }
0x37: {  	v1 =	vld.idx.msk [tilespmem:v43+s13+$0x0], $0xffff  }
0x38: {  	v5 =	vld.idx.msk [tilespmem:v44+s13+$0x0], $0xffff  }
0x39: {  	v0 =	vld.idx.msk [tilespmem:v45+s13+$0x0], $0xffff  }
0x3a: {  	v4 =	vld.idx.msk [tilespmem:v4+s13+$0x0], $0xffff;
	_ =	sdelay $0x2  }
0x3b: {  	v2 =	vmul.f32 v2, v3;
	v1 =	vmul.f32 v5, v1  }
0x3c: {  	v48 =	vmul.u32 $0x3, v46;
	v49 =	vmul.u32 $0x3, v47  }
0x3d: {  	v0 =	vmul.f32 v4, v0;
	v1 =	vadd.f32 v1, v2  }
0x3e: {  	v50 =	vadd.s32 $0x1198, v49  }
0x3f: {  	v51 =	vadd.s32 $0x1, v48;
	v0 =	vadd.f32 v0, v1  }
0x40: {  	v54 =	vld [tilespmem:$0x30];
	v52 =	vadd.s32 $0x1199, v49  }
0x41: {  	v55 =	vld [tilespmem:$0x230];
	v53 =	vadd.s32 $0x2, v48;
	[tilespmem:$0x3028] =	vst v0  }
0x42: {  	v5 =	vadd.s32 $0x119A, v49;
	v3 =	vld.idx.msk [tilespmem:v48+s13+$0x0], $0xffff  }
0x43: {  	v2 =	vld.idx.msk [tilespmem:v50+s13+$0x0], $0xffff  }
0x44: {  	v1 =	vld.idx.msk [tilespmem:v51+s13+$0x0], $0xffff  }
0x45: {  	v4 =	vld.idx.msk [tilespmem:v52+s13+$0x0], $0xffff  }
0x46: {  	v0 =	vld.idx.msk [tilespmem:v53+s13+$0x0], $0xffff  }
0x47: {  	v5 =	vld.idx.msk [tilespmem:v5+s13+$0x0], $0xffff;
	_ =	sdelay $0x2  }
0x48: {  	v2 =	vmul.f32 v2, v3;
	v1 =	vmul.f32 v4, v1  }
0x49: {  	v56 =	vmul.u32 $0x3, v54;
	v57 =	vmul.u32 $0x3, v55  }
0x4a: {  	v0 =	vmul.f32 v5, v0;
	v1 =	vadd.f32 v1, v2  }
0x4b: {  	v58 =	vadd.s32 $0x1198, v57  }
0x4c: {  	v59 =	vadd.s32 $0x1, v56;
	v0 =	vadd.f32 v0, v1  }
0x4d: {  	v62 =	vld [tilespmem:$0x40];
	v60 =	vadd.s32 $0x1199, v57  }
0x4e: {  	v63 =	vld [tilespmem:$0x240];
	v61 =	vadd.s32 $0x2, v56;
	[tilespmem:$0x3038] =	vst v0  }
0x4f: {  	v4 =	vadd.s32 $0x119A, v57;
	v3 =	vld.idx.msk [tilespmem:v56+s13+$0x0], $0xffff  }
0x50: {  	v2 =	vld.idx.msk [tilespmem:v58+s13+$0x0], $0xffff  }
0x51: {  	v1 =	vld.idx.msk [tilespmem:v59+s13+$0x0], $0xffff  }
0x52: {  	v5 =	vld.idx.msk [tilespmem:v60+s13+$0x0], $0xffff  }
0x53: {  	v0 =	vld.idx.msk [tilespmem:v61+s13+$0x0], $0xffff  }
0x54: {  	v4 =	vld.idx.msk [tilespmem:v4+s13+$0x0], $0xffff;
	_ =	sdelay $0x2  }
0x55: {  	v2 =	vmul.f32 v2, v3;
	v1 =	vmul.f32 v5, v1  }
0x56: {  	v8 =	vmul.u32 $0x3, v62;
	v9 =	vmul.u32 $0x3, v63  }
0x57: {  	v0 =	vmul.f32 v4, v0;
	v1 =	vadd.f32 v1, v2  }
0x58: {  	v10 =	vadd.s32 $0x1198, v9  }
0x59: {  	v11 =	vadd.s32 $0x1, v8;
	v0 =	vadd.f32 v0, v1  }
0x5a: {  	v14 =	vld [tilespmem:$0x50];
	v12 =	vadd.s32 $0x1199, v9  }
0x5b: {  	v15 =	vld [tilespmem:$0x250];
	v13 =	vadd.s32 $0x2, v8;
	[tilespmem:$0x3048] =	vst v0  }
0x5c: {  	v5 =	vadd.s32 $0x119A, v9;
	v3 =	vld.idx.msk [tilespmem:v8+s13+$0x0], $0xffff  }
0x5d: {  	v2 =	vld.idx.msk [tilespmem:v10+s13+$0x0], $0xffff  }
0x5e: {  	v1 =	vld.idx.msk [tilespmem:v11+s13+$0x0], $0xffff  }
0x5f: {  	v4 =	vld.idx.msk [tilespmem:v12+s13+$0x0], $0xffff  }
0x60: {  	v0 =	vld.idx.msk [tilespmem:v13+s13+$0x0], $0xffff  }
0x61: {  	v5 =	vld.idx.msk [tilespmem:v5+s13+$0x0], $0xffff;
	_ =	sdelay $0x2  }
0x62: {  	v2 =	vmul.f32 v2, v3;
	v1 =	vmul.f32 v4, v1  }
0x63: {  	v16 =	vmul.u32 $0x3, v14;
	v17 =	vmul.u32 $0x3, v15  }
0x64: {  	v0 =	vmul.f32 v5, v0;
	v1 =	vadd.f32 v1, v2  }
0x65: {  	v18 =	vadd.s32 $0x1198, v17  }
0x66: {  	v19 =	vadd.s32 $0x1, v16;
	v0 =	vadd.f32 v0, v1  }
0x67: {  	v22 =	vld [tilespmem:$0x60];
	v20 =	vadd.s32 $0x1199, v17  }
0x68: {  	v23 =	vld [tilespmem:$0x260];
	v21 =	vadd.s32 $0x2, v16;
	[tilespmem:$0x3058] =	vst v0  }
0x69: {  	v4 =	vadd.s32 $0x119A, v17;
	v3 =	vld.idx.msk [tilespmem:v16+s13+$0x0], $0xffff  }
0x6a: {  	v2 =	vld.idx.msk [tilespmem:v18+s13+$0x0], $0xffff  }
0x6b: {  	v1 =	vld.idx.msk [tilespmem:v19+s13+$0x0], $0xffff  }
0x6c: {  	v5 =	vld.idx.msk [tilespmem:v20+s13+$0x0], $0xffff  }
0x6d: {  	v0 =	vld.idx.msk [tilespmem:v21+s13+$0x0], $0xffff  }
0x6e: {  	v4 =	vld.idx.msk [tilespmem:v4+s13+$0x0], $0xffff;
	_ =	sdelay $0x2  }
0x6f: {  	v2 =	vmul.f32 v2, v3;
	v1 =	vmul.f32 v5, v1  }
0x70: {  	v24 =	vmul.u32 $0x3, v22;
	v25 =	vmul.u32 $0x3, v23  }
0x71: {  	v0 =	vmul.f32 v4, v0;
	v1 =	vadd.f32 v1, v2  }
0x72: {  	v26 =	vadd.s32 $0x1198, v25  }
0x73: {  	v27 =	vadd.s32 $0x1, v24;
	v0 =	vadd.f32 v0, v1  }
0x74: {  	v30 =	vld [tilespmem:$0x70];
	v28 =	vadd.s32 $0x1199, v25  }
0x75: {  	v31 =	vld [tilespmem:$0x270];
	v29 =	vadd.s32 $0x2, v24;
	[tilespmem:$0x3068] =	vst v0  }
0x76: {  	v5 =	vadd.s32 $0x119A, v25;
	v3 =	vld.idx.msk [tilespmem:v24+s13+$0x0], $0xffff  }
0x77: {  	v2 =	vld.idx.msk [tilespmem:v26+s13+$0x0], $0xffff  }
0x78: {  	v1 =	vld.idx.msk [tilespmem:v27+s13+$0x0], $0xffff  }
0x79: {  	v4 =	vld.idx.msk [tilespmem:v28+s13+$0x0], $0xffff  }
0x7a: {  	v0 =	vld.idx.msk [tilespmem:v29+s13+$0x0], $0xffff  }
0x7b: {  	v5 =	vld.idx.msk [tilespmem:v5+s13+$0x0], $0xffff;
	_ =	sdelay $0x2  }
0x7c: {  	v2 =	vmul.f32 v2, v3;
	v1 =	vmul.f32 v4, v1  }
0x7d: {  	v32 =	vmul.u32 $0x3, v30;
	v33 =	vmul.u32 $0x3, v31  }
0x7e: {  	v0 =	vmul.f32 v5, v0;
	v1 =	vadd.f32 v1, v2  }
0x7f: {  	v34 =	vadd.s32 $0x1198, v33  }
0x80: {  	v35 =	vadd.s32 $0x1, v32;
	v0 =	vadd.f32 v0, v1  }
0x81: {  	v38 =	vld [tilespmem:$0x80];
	v36 =	vadd.s32 $0x1199, v33  }
0x82: {  	v37 =	vadd.s32 $0x2, v32;
	v39 =	vld [tilespmem:$0x280];
	[tilespmem:$0x3078] =	vst v0  }
0x83: {  	v4 =	vadd.s32 $0x119A, v33;
	v3 =	vld.idx.msk [tilespmem:v32+s13+$0x0], $0xffff  }
0x84: {  	v2 =	vld.idx.msk [tilespmem:v34+s13+$0x0], $0xffff  }
0x85: {  	v1 =	vld.idx.msk [tilespmem:v35+s13+$0x0], $0xffff  }
0x86: {  	v5 =	vld.idx.msk [tilespmem:v36+s13+$0x0], $0xffff  }
0x87: {  	v0 =	vld.idx.msk [tilespmem:v37+s13+$0x0], $0xffff  }
0x88: {  	v4 =	vld.idx.msk [tilespmem:v4+s13+$0x0], $0xffff;
	_ =	sdelay $0x2  }
0x89: {  	v2 =	vmul.f32 v2, v3;
	v1 =	vmul.f32 v5, v1  }
0x8a: {  	v40 =	vmul.u32 $0x3, v38;
	v41 =	vmul.u32 $0x3, v39  }
0x8b: {  	v0 =	vmul.f32 v4, v0;
	v1 =	vadd.f32 v1, v2  }
0x8c: {  	v42 =	vadd.s32 $0x1198, v41  }
0x8d: {  	v43 =	vadd.s32 $0x1, v40;
	v0 =	vadd.f32 v0, v1  }
0x8e: {  	v46 =	vld [tilespmem:$0x90];
	v44 =	vadd.s32 $0x1199, v41  }
0x8f: {  	v47 =	vld [tilespmem:$0x290];
	v45 =	vadd.s32 $0x2, v40;
	[tilespmem:$0x3088] =	vst v0  }
0x90: {  	v5 =	vadd.s32 $0x119A, v41;
	v3 =	vld.idx.msk [tilespmem:v40+s13+$0x0], $0xffff  }
0x91: {  	v2 =	vld.idx.msk [tilespmem:v42+s13+$0x0], $0xffff  }
0x92: {  	v1 =	vld.idx.msk [tilespmem:v43+s13+$0x0], $0xffff  }
0x93: {  	v4 =	vld.idx.msk [tilespmem:v44+s13+$0x0], $0xffff  }
0x94: {  	v0 =	vld.idx.msk [tilespmem:v45+s13+$0x0], $0xffff  }
0x95: {  	v5 =	vld.idx.msk [tilespmem:v5+s13+$0x0], $0xffff;
	_ =	sdelay $0x2  }
0x96: {  	v2 =	vmul.f32 v2, v3;
	v1 =	vmul.f32 v4, v1  }
0x97: {  	v49 =	vmul.u32 $0x3, v47;
	v48 =	vmul.u32 $0x3, v46  }
0x98: {  	v0 =	vmul.f32 v5, v0;
	v1 =	vadd.f32 v1, v2  }
0x99: {  	v50 =	vadd.s32 $0x1198, v49  }
0x9a: {  	v51 =	vadd.s32 $0x1, v48;
	v0 =	vadd.f32 v0, v1  }
0x9b: {  	v54 =	vld [tilespmem:$0xA0];
	v52 =	vadd.s32 $0x1199, v49  }
0x9c: {  	v55 =	vld [tilespmem:$0x2A0];
	v53 =	vadd.s32 $0x2, v48;
	[tilespmem:$0x3098] =	vst v0  }
0x9d: {  	v4 =	vadd.s32 $0x119A, v49;
	v3 =	vld.idx.msk [tilespmem:v48+s13+$0x0], $0xffff  }
0x9e: {  	v2 =	vld.idx.msk [tilespmem:v50+s13+$0x0], $0xffff  }
0x9f: {  	v1 =	vld.idx.msk [tilespmem:v51+s13+$0x0], $0xffff  }
0xa0: {  	v5 =	vld.idx.msk [tilespmem:v52+s13+$0x0], $0xffff  }
0xa1: {  	v0 =	vld.idx.msk [tilespmem:v53+s13+$0x0], $0xffff  }
0xa2: {  	v4 =	vld.idx.msk [tilespmem:v4+s13+$0x0], $0xffff;
	_ =	sdelay $0x2  }
0xa3: {  	v2 =	vmul.f32 v2, v3;
	v1 =	vmul.f32 v5, v1  }
0xa4: {  	v57 =	vmul.u32 $0x3, v55;
	v56 =	vmul.u32 $0x3, v54  }
0xa5: {  	v0 =	vmul.f32 v4, v0;
	v1 =	vadd.f32 v1, v2  }
0xa6: {  	v58 =	vadd.s32 $0x1198, v57  }
0xa7: {  	v59 =	vadd.s32 $0x1, v56;
	v0 =	vadd.f32 v0, v1  }
0xa8: {  	v62 =	vld [tilespmem:$0xB0];
	v60 =	vadd.s32 $0x1199, v57  }
0xa9: {  	v63 =	vld [tilespmem:$0x2B0];
	v61 =	vadd.s32 $0x2, v56;
	[tilespmem:$0x30A8] =	vst v0  }
0xaa: {  	v5 =	vadd.s32 $0x119A, v57;
	v3 =	vld.idx.msk [tilespmem:v56+s13+$0x0], $0xffff  }
0xab: {  	v2 =	vld.idx.msk [tilespmem:v58+s13+$0x0], $0xffff  }
0xac: {  	v1 =	vld.idx.msk [tilespmem:v59+s13+$0x0], $0xffff  }
0xad: {  	v4 =	vld.idx.msk [tilespmem:v60+s13+$0x0], $0xffff  }
0xae: {  	v0 =	vld.idx.msk [tilespmem:v61+s13+$0x0], $0xffff  }
0xaf: {  	v5 =	vld.idx.msk [tilespmem:v5+s13+$0x0], $0xffff;
	_ =	sdelay $0x2  }
0xb0: {  	v2 =	vmul.f32 v2, v3;
	v1 =	vmul.f32 v4, v1  }
0xb1: {  	v9 =	vmul.u32 $0x3, v63;
	v8 =	vmul.u32 $0x3, v62  }
0xb2: {  	v0 =	vmul.f32 v5, v0;
	v1 =	vadd.f32 v1, v2  }
0xb3: {  	v10 =	vadd.s32 $0x1198, v9  }
0xb4: {  	v11 =	vadd.s32 $0x1, v8;
	v0 =	vadd.f32 v0, v1  }
0xb5: {  	v14 =	vld [tilespmem:$0xC0];
	v12 =	vadd.s32 $0x1199, v9  }
0xb6: {  	v15 =	vld [tilespmem:$0x2C0];
	v13 =	vadd.s32 $0x2, v8;
	[tilespmem:$0x30B8] =	vst v0  }
0xb7: {  	v4 =	vadd.s32 $0x119A, v9;
	v3 =	vld.idx.msk [tilespmem:v8+s13+$0x0], $0xffff  }
0xb8: {  	v2 =	vld.idx.msk [tilespmem:v10+s13+$0x0], $0xffff  }
0xb9: {  	v1 =	vld.idx.msk [tilespmem:v11+s13+$0x0], $0xffff  }
0xba: {  	v5 =	vld.idx.msk [tilespmem:v12+s13+$0x0], $0xffff  }
0xbb: {  	v0 =	vld.idx.msk [tilespmem:v13+s13+$0x0], $0xffff  }
0xbc: {  	v4 =	vld.idx.msk [tilespmem:v4+s13+$0x0], $0xffff;
	_ =	sdelay $0x2  }
0xbd: {  	v2 =	vmul.f32 v2, v3;
	v1 =	vmul.f32 v5, v1  }
0xbe: {  	v17 =	vmul.u32 $0x3, v15;
	v16 =	vmul.u32 $0x3, v14  }
0xbf: {  	v0 =	vmul.f32 v4, v0;
	v1 =	vadd.f32 v1, v2  }
0xc0: {  	v18 =	vadd.s32 $0x1198, v17  }
0xc1: {  	v19 =	vadd.s32 $0x1, v16;
	v0 =	vadd.f32 v0, v1  }
0xc2: {  	v22 =	vld [tilespmem:$0xD0];
	v20 =	vadd.s32 $0x1199, v17  }
0xc3: {  	v23 =	vld [tilespmem:$0x2D0];
	v21 =	vadd.s32 $0x2, v16;
	[tilespmem:$0x30C8] =	vst v0  }
0xc4: {  	v5 =	vadd.s32 $0x119A, v17;
	v3 =	vld.idx.msk [tilespmem:v16+s13+$0x0], $0xffff  }
0xc5: {  	v2 =	vld.idx.msk [tilespmem:v18+s13+$0x0], $0xffff  }
0xc6: {  	v1 =	vld.idx.msk [tilespmem:v19+s13+$0x0], $0xffff  }
0xc7: {  	v4 =	vld.idx.msk [tilespmem:v20+s13+$0x0], $0xffff  }
0xc8: {  	v0 =	vld.idx.msk [tilespmem:v21+s13+$0x0], $0xffff  }
0xc9: {  	v5 =	vld.idx.msk [tilespmem:v5+s13+$0x0], $0xffff;
	_ =	sdelay $0x2  }
0xca: {  	v2 =	vmul.f32 v2, v3;
	v1 =	vmul.f32 v4, v1  }
0xcb: {  	v25 =	vmul.u32 $0x3, v23;
	v24 =	vmul.u32 $0x3, v22  }
0xcc: {  	v0 =	vmul.f32 v5, v0;
	v1 =	vadd.f32 v1, v2  }
0xcd: {  	v26 =	vadd.s32 $0x1198, v25  }
0xce: {  	v27 =	vadd.s32 $0x1, v24;
	v0 =	vadd.f32 v0, v1  }
0xcf: {  	v30 =	vld [tilespmem:$0xE0];
	v28 =	vadd.s32 $0x1199, v25  }
0xd0: {  	v31 =	vld [tilespmem:$0x2E0];
	v29 =	vadd.s32 $0x2, v24;
	[tilespmem:$0x30D8] =	vst v0  }
0xd1: {  	v4 =	vadd.s32 $0x119A, v25;
	v3 =	vld.idx.msk [tilespmem:v24+s13+$0x0], $0xffff  }
0xd2: {  	v2 =	vld.idx.msk [tilespmem:v26+s13+$0x0], $0xffff  }
0xd3: {  	v1 =	vld.idx.msk [tilespmem:v27+s13+$0x0], $0xffff  }
0xd4: {  	v5 =	vld.idx.msk [tilespmem:v28+s13+$0x0], $0xffff  }
0xd5: {  	v0 =	vld.idx.msk [tilespmem:v29+s13+$0x0], $0xffff  }
0xd6: {  	v4 =	vld.idx.msk [tilespmem:v4+s13+$0x0], $0xffff;
	_ =	sdelay $0x2  }
0xd7: {  	v2 =	vmul.f32 v2, v3;
	v1 =	vmul.f32 v5, v1  }
0xd8: {  	v33 =	vmul.u32 $0x3, v31;
	v32 =	vmul.u32 $0x3, v30  }
0xd9: {  	v0 =	vmul.f32 v4, v0;
	v1 =	vadd.f32 v1, v2  }
0xda: {  	v34 =	vadd.s32 $0x1198, v33  }
0xdb: {  	v35 =	vadd.s32 $0x1, v32;
	v0 =	vadd.f32 v0, v1  }
0xdc: {  	v38 =	vld [tilespmem:$0xF0];
	v36 =	vadd.s32 $0x1199, v33  }
0xdd: {  	v39 =	vld [tilespmem:$0x2F0];
	v37 =	vadd.s32 $0x2, v32;
	[tilespmem:$0x30E8] =	vst v0  }
0xde: {  	v5 =	vadd.s32 $0x119A, v33;
	v3 =	vld.idx.msk [tilespmem:v32+s13+$0x0], $0xffff  }
0xdf: {  	v2 =	vld.idx.msk [tilespmem:v34+s13+$0x0], $0xffff  }
0xe0: {  	v1 =	vld.idx.msk [tilespmem:v35+s13+$0x0], $0xffff  }
0xe1: {  	v4 =	vld.idx.msk [tilespmem:v36+s13+$0x0], $0xffff  }
0xe2: {  	v0 =	vld.idx.msk [tilespmem:v37+s13+$0x0], $0xffff  }
0xe3: {  	v5 =	vld.idx.msk [tilespmem:v5+s13+$0x0], $0xffff;
	_ =	sdelay $0x2  }
0xe4: {  	v2 =	vmul.f32 v2, v3;
	v1 =	vmul.f32 v4, v1  }
0xe5: {  	v41 =	vmul.u32 $0x3, v39;
	v40 =	vmul.u32 $0x3, v38  }
0xe6: {  	v0 =	vmul.f32 v5, v0;
	v1 =	vadd.f32 v1, v2  }
0xe7: {  	v42 =	vadd.s32 $0x1198, v41  }
0xe8: {  	v43 =	vadd.s32 $0x1, v40;
	v0 =	vadd.f32 v0, v1  }
0xe9: {  	v47 =	vld [tilespmem:$0x300];
	v44 =	vadd.s32 $0x1199, v41  }
0xea: {  	v46 =	vld [tilespmem:$0x100];
	v45 =	vadd.s32 $0x2, v40;
	[tilespmem:$0x30F8] =	vst v0  }
0xeb: {  	v4 =	vadd.s32 $0x119A, v41;
	v3 =	vld.idx.msk [tilespmem:v40+s13+$0x0], $0xffff  }
0xec: {  	v2 =	vld.idx.msk [tilespmem:v42+s13+$0x0], $0xffff  }
0xed: {  	v1 =	vld.idx.msk [tilespmem:v43+s13+$0x0], $0xffff  }
0xee: {  	v5 =	vld.idx.msk [tilespmem:v44+s13+$0x0], $0xffff  }
0xef: {  	v0 =	vld.idx.msk [tilespmem:v45+s13+$0x0], $0xffff  }
0xf0: {  	v4 =	vld.idx.msk [tilespmem:v4+s13+$0x0], $0xffff;
	_ =	sdelay $0x2  }
0xf1: {  	v2 =	vmul.f32 v2, v3;
	v1 =	vmul.f32 v5, v1  }
0xf2: {  	v49 =	vmul.u32 $0x3, v47;
	v48 =	vmul.u32 $0x3, v46  }
0xf3: {  	v0 =	vmul.f32 v4, v0;
	v1 =	vadd.f32 v1, v2  }
0xf4: {  	v50 =	vadd.s32 $0x1198, v49  }
0xf5: {  	v51 =	vadd.s32 $0x1, v48;
	v0 =	vadd.f32 v0, v1  }
0xf6: {  	v55 =	vld [tilespmem:$0x310];
	v52 =	vadd.s32 $0x1199, v49  }
0xf7: {  	v54 =	vld [tilespmem:$0x110];
	v53 =	vadd.s32 $0x2, v48;
	[tilespmem:$0x3108] =	vst v0  }
0xf8: {  	v5 =	vadd.s32 $0x119A, v49;
	v3 =	vld.idx.msk [tilespmem:v48+s13+$0x0], $0xffff  }
0xf9: {  	v2 =	vld.idx.msk [tilespmem:v50+s13+$0x0], $0xffff  }
0xfa: {  	v1 =	vld.idx.msk [tilespmem:v51+s13+$0x0], $0xffff  }
0xfb: {  	v4 =	vld.idx.msk [tilespmem:v52+s13+$0x0], $0xffff  }
0xfc: {  	v0 =	vld.idx.msk [tilespmem:v53+s13+$0x0], $0xffff  }
0xfd: {  	v5 =	vld.idx.msk [tilespmem:v5+s13+$0x0], $0xffff;
	_ =	sdelay $0x2  }
0xfe: {  	v2 =	vmul.f32 v2, v3;
	v1 =	vmul.f32 v4, v1  }
0xff: {  	v57 =	vmul.u32 $0x3, v55;
	v56 =	vmul.u32 $0x3, v54  }
0x100: {  	v0 =	vmul.f32 v5, v0;
	v1 =	vadd.f32 v1, v2  }
0x101: {  	v58 =	vadd.s32 $0x1198, v57  }
0x102: {  	v59 =	vadd.s32 $0x1, v56;
	v0 =	vadd.f32 v0, v1  }
0x103: {  	v63 =	vld [tilespmem:$0x320];
	v60 =	vadd.s32 $0x1199, v57  }
0x104: {  	v62 =	vld [tilespmem:$0x120];
	v61 =	vadd.s32 $0x2, v56;
	[tilespmem:$0x3118] =	vst v0  }
0x105: {  	v4 =	vadd.s32 $0x119A, v57;
	v3 =	vld.idx.msk [tilespmem:v56+s13+$0x0], $0xffff  }
0x106: {  	v2 =	vld.idx.msk [tilespmem:v58+s13+$0x0], $0xffff  }
0x107: {  	v1 =	vld.idx.msk [tilespmem:v59+s13+$0x0], $0xffff  }
0x108: {  	v5 =	vld.idx.msk [tilespmem:v60+s13+$0x0], $0xffff  }
0x109: {  	v0 =	vld.idx.msk [tilespmem:v61+s13+$0x0], $0xffff  }
0x10a: {  	v4 =	vld.idx.msk [tilespmem:v4+s13+$0x0], $0xffff;
	_ =	sdelay $0x2  }
0x10b: {  	v2 =	vmul.f32 v2, v3;
	v1 =	vmul.f32 v5, v1  }
0x10c: {  	v9 =	vmul.u32 $0x3, v62;
	v10 =	vmul.u32 $0x3, v63  }
0x10d: {  	v0 =	vmul.f32 v4, v0;
	v1 =	vadd.f32 v1, v2  }
0x10e: {  	v11 =	vadd.s32 $0x1198, v10  }
0x10f: {  	v12 =	vadd.s32 $0x1, v9;
	v0 =	vadd.f32 v0, v1  }
0x110: {  	v15 =	vld [tilespmem:$0x130];
	v13 =	vadd.s32 $0x1199, v10  }
0x111: {  	v14 =	vadd.s32 $0x2, v9;
	v16 =	vld [tilespmem:$0x330];
	[tilespmem:$0x3128] =	vst v0  }
0x112: {  	v5 =	vadd.s32 $0x119A, v10;
	v3 =	vld.idx.msk [tilespmem:v9+s13+$0x0], $0xffff  }
0x113: {  	v2 =	vld.idx.msk [tilespmem:v11+s13+$0x0], $0xffff  }
0x114: {  	v1 =	vld.idx.msk [tilespmem:v12+s13+$0x0], $0xffff  }
0x115: {  	v4 =	vld.idx.msk [tilespmem:v13+s13+$0x0], $0xffff  }
0x116: {  	v0 =	vld.idx.msk [tilespmem:v14+s13+$0x0], $0xffff  }
0x117: {  	v5 =	vld.idx.msk [tilespmem:v5+s13+$0x0], $0xffff;
	_ =	sdelay $0x2  }
0x118: {  	v2 =	vmul.f32 v2, v3;
	v1 =	vmul.f32 v4, v1  }
0x119: {  	v17 =	vmul.u32 $0x3, v15;
	v18 =	vmul.u32 $0x3, v16  }
0x11a: {  	v0 =	vmul.f32 v5, v0;
	v1 =	vadd.f32 v1, v2  }
0x11b: {  	v19 =	vadd.s32 $0x1198, v18  }
0x11c: {  	v20 =	vadd.s32 $0x1, v17;
	v0 =	vadd.f32 v0, v1  }
0x11d: {  	v23 =	vld [tilespmem:$0x140];
	v21 =	vadd.s32 $0x1199, v18  }
0x11e: {  	v22 =	vadd.s32 $0x2, v17;
	v24 =	vld [tilespmem:$0x340];
	[tilespmem:$0x3138] =	vst v0  }
0x11f: {  	v4 =	vadd.s32 $0x119A, v18;
	v3 =	vld.idx.msk [tilespmem:v17+s13+$0x0], $0xffff  }
0x120: {  	v2 =	vld.idx.msk [tilespmem:v19+s13+$0x0], $0xffff  }
0x121: {  	v1 =	vld.idx.msk [tilespmem:v20+s13+$0x0], $0xffff  }
0x122: {  	v5 =	vld.idx.msk [tilespmem:v21+s13+$0x0], $0xffff  }
0x123: {  	v0 =	vld.idx.msk [tilespmem:v22+s13+$0x0], $0xffff  }
0x124: {  	v4 =	vld.idx.msk [tilespmem:v4+s13+$0x0], $0xffff;
	_ =	sdelay $0x2  }
0x125: {  	v2 =	vmul.f32 v2, v3;
	v1 =	vmul.f32 v5, v1  }
0x126: {  	v25 =	vmul.u32 $0x3, v23;
	v26 =	vmul.u32 $0x3, v24  }
0x127: {  	v0 =	vmul.f32 v4, v0;
	v1 =	vadd.f32 v1, v2  }
0x128: {  	v27 =	vadd.s32 $0x1198, v26  }
0x129: {  	v28 =	vadd.s32 $0x1, v25;
	v0 =	vadd.f32 v0, v1  }
0x12a: {  	v31 =	vld [tilespmem:$0x150];
	v29 =	vadd.s32 $0x1199, v26  }
0x12b: {  	v30 =	vadd.s32 $0x2, v25;
	v32 =	vld [tilespmem:$0x350];
	[tilespmem:$0x3148] =	vst v0  }
0x12c: {  	v5 =	vadd.s32 $0x119A, v26;
	v3 =	vld.idx.msk [tilespmem:v25+s13+$0x0], $0xffff  }
0x12d: {  	v2 =	vld.idx.msk [tilespmem:v27+s13+$0x0], $0xffff  }
0x12e: {  	v1 =	vld.idx.msk [tilespmem:v28+s13+$0x0], $0xffff  }
0x12f: {  	v4 =	vld.idx.msk [tilespmem:v29+s13+$0x0], $0xffff  }
0x130: {  	v0 =	vld.idx.msk [tilespmem:v30+s13+$0x0], $0xffff  }
0x131: {  	v5 =	vld.idx.msk [tilespmem:v5+s13+$0x0], $0xffff;
	_ =	sdelay $0x2  }
0x132: {  	v2 =	vmul.f32 v2, v3;
	v1 =	vmul.f32 v4, v1  }
0x133: {  	v33 =	vmul.u32 $0x3, v31;
	v34 =	vmul.u32 $0x3, v32  }
0x134: {  	v0 =	vmul.f32 v5, v0;
	v1 =	vadd.f32 v1, v2  }
0x135: {  	v35 =	vadd.s32 $0x1198, v34  }
0x136: {  	v36 =	vadd.s32 $0x1, v33;
	v0 =	vadd.f32 v0, v1  }
0x137: {  	v39 =	vld [tilespmem:$0x160];
	v37 =	vadd.s32 $0x1199, v34  }
0x138: {  	v38 =	vadd.s32 $0x2, v33;
	v40 =	vld [tilespmem:$0x360];
	[tilespmem:$0x3158] =	vst v0  }
0x139: {  	v4 =	vadd.s32 $0x119A, v34;
	v3 =	vld.idx.msk [tilespmem:v33+s13+$0x0], $0xffff  }
0x13a: {  	v2 =	vld.idx.msk [tilespmem:v35+s13+$0x0], $0xffff  }
0x13b: {  	v1 =	vld.idx.msk [tilespmem:v36+s13+$0x0], $0xffff  }
0x13c: {  	v5 =	vld.idx.msk [tilespmem:v37+s13+$0x0], $0xffff  }
0x13d: {  	v0 =	vld.idx.msk [tilespmem:v38+s13+$0x0], $0xffff  }
0x13e: {  	v4 =	vld.idx.msk [tilespmem:v4+s13+$0x0], $0xffff;
	_ =	sdelay $0x2  }
0x13f: {  	v2 =	vmul.f32 v2, v3;
	v1 =	vmul.f32 v5, v1  }
0x140: {  	v41 =	vmul.u32 $0x3, v39;
	v42 =	vmul.u32 $0x3, v40  }
0x141: {  	v0 =	vmul.f32 v4, v0;
	v1 =	vadd.f32 v1, v2  }
0x142: {  	v43 =	vadd.s32 $0x1198, v42  }
0x143: {  	v44 =	vadd.s32 $0x1, v41;
	v0 =	vadd.f32 v0, v1  }
0x144: {  	v47 =	vld [tilespmem:$0x170];
	v45 =	vadd.s32 $0x1199, v42  }
0x145: {  	v46 =	vadd.s32 $0x2, v41;
	v48 =	vld [tilespmem:$0x370];
	[tilespmem:$0x3168] =	vst v0  }
0x146: {  	v5 =	vadd.s32 $0x119A, v42;
	v3 =	vld.idx.msk [tilespmem:v41+s13+$0x0], $0xffff  }
0x147: {  	v2 =	vld.idx.msk [tilespmem:v43+s13+$0x0], $0xffff  }
0x148: {  	v1 =	vld.idx.msk [tilespmem:v44+s13+$0x0], $0xffff  }
0x149: {  	v4 =	vld.idx.msk [tilespmem:v45+s13+$0x0], $0xffff  }
0x14a: {  	v0 =	vld.idx.msk [tilespmem:v46+s13+$0x0], $0xffff  }
0x14b: {  	v5 =	vld.idx.msk [tilespmem:v5+s13+$0x0], $0xffff;
	_ =	sdelay $0x2  }
0x14c: {  	v2 =	vmul.f32 v2, v3;
	v1 =	vmul.f32 v4, v1  }
0x14d: {  	v49 =	vmul.u32 $0x3, v47;
	v50 =	vmul.u32 $0x3, v48  }
0x14e: {  	v0 =	vmul.f32 v5, v0;
	v1 =	vadd.f32 v1, v2  }
0x14f: {  	v51 =	vadd.s32 $0x1198, v50  }
0x150: {  	v52 =	vadd.s32 $0x1, v49;
	v0 =	vadd.f32 v0, v1  }
0x151: {  	v55 =	vld [tilespmem:$0x180];
	v53 =	vadd.s32 $0x1199, v50  }
0x152: {  	v54 =	vadd.s32 $0x2, v49;
	v56 =	vld [tilespmem:$0x380];
	[tilespmem:$0x3178] =	vst v0  }
0x153: {  	v4 =	vadd.s32 $0x119A, v50;
	v3 =	vld.idx.msk [tilespmem:v49+s13+$0x0], $0xffff  }
0x154: {  	v2 =	vld.idx.msk [tilespmem:v51+s13+$0x0], $0xffff  }
0x155: {  	v1 =	vld.idx.msk [tilespmem:v52+s13+$0x0], $0xffff  }
0x156: {  	v5 =	vld.idx.msk [tilespmem:v53+s13+$0x0], $0xffff  }
0x157: {  	v0 =	vld.idx.msk [tilespmem:v54+s13+$0x0], $0xffff  }
0x158: {  	v4 =	vld.idx.msk [tilespmem:v4+s13+$0x0], $0xffff;
	_ =	sdelay $0x2  }
0x159: {  	v2 =	vmul.f32 v2, v3;
	v1 =	vmul.f32 v5, v1  }
0x15a: {  	v57 =	vmul.u32 $0x3, v55;
	v58 =	vmul.u32 $0x3, v56  }
0x15b: {  	v0 =	vmul.f32 v4, v0;
	v1 =	vadd.f32 v1, v2  }
0x15c: {  	v59 =	vadd.s32 $0x1198, v58  }
0x15d: {  	v60 =	vadd.s32 $0x1, v57;
	v0 =	vadd.f32 v0, v1  }
0x15e: {  	v63 =	vld [tilespmem:$0x190];
	v61 =	vadd.s32 $0x1199, v58  }
0x15f: {  	v62 =	vadd.s32 $0x2, v57;
	v9 =	vld [tilespmem:$0x390];
	[tilespmem:$0x3188] =	vst v0  }
0x160: {  	v5 =	vadd.s32 $0x119A, v58;
	v3 =	vld.idx.msk [tilespmem:v57+s13+$0x0], $0xffff  }
0x161: {  	v2 =	vld.idx.msk [tilespmem:v59+s13+$0x0], $0xffff  }
0x162: {  	v1 =	vld.idx.msk [tilespmem:v60+s13+$0x0], $0xffff  }
0x163: {  	v4 =	vld.idx.msk [tilespmem:v61+s13+$0x0], $0xffff  }
0x164: {  	v0 =	vld.idx.msk [tilespmem:v62+s13+$0x0], $0xffff  }
0x165: {  	v5 =	vld.idx.msk [tilespmem:v5+s13+$0x0], $0xffff;
	_ =	sdelay $0x2  }
0x166: {  	v2 =	vmul.f32 v2, v3;
	v1 =	vmul.f32 v4, v1  }
0x167: {  	v10 =	vmul.u32 $0x3, v63;
	v11 =	vmul.u32 $0x3, v9  }
0x168: {  	v0 =	vmul.f32 v5, v0;
	v1 =	vadd.f32 v1, v2  }
0x169: {  	v12 =	vadd.s32 $0x1198, v11  }
0x16a: {  	v13 =	vadd.s32 $0x1, v10;
	v0 =	vadd.f32 v0, v1  }
0x16b: {  	v16 =	vld [tilespmem:$0x1A0];
	v14 =	vadd.s32 $0x1199, v11  }
0x16c: {  	v15 =	vadd.s32 $0x2, v10;
	v17 =	vld [tilespmem:$0x3A0];
	[tilespmem:$0x3198] =	vst v0  }
0x16d: {  	v4 =	vadd.s32 $0x119A, v11;
	v3 =	vld.idx.msk [tilespmem:v10+s13+$0x0], $0xffff  }
0x16e: {  	v2 =	vld.idx.msk [tilespmem:v12+s13+$0x0], $0xffff  }
0x16f: {  	v1 =	vld.idx.msk [tilespmem:v13+s13+$0x0], $0xffff  }
0x170: {  	v5 =	vld.idx.msk [tilespmem:v14+s13+$0x0], $0xffff  }
0x171: {  	v0 =	vld.idx.msk [tilespmem:v15+s13+$0x0], $0xffff  }
0x172: {  	v4 =	vld.idx.msk [tilespmem:v4+s13+$0x0], $0xffff;
	_ =	sdelay $0x2  }
0x173: {  	v2 =	vmul.f32 v2, v3;
	v1 =	vmul.f32 v5, v1  }
0x174: {  	v18 =	vmul.u32 $0x3, v16;
	v19 =	vmul.u32 $0x3, v17  }
0x175: {  	v0 =	vmul.f32 v4, v0;
	v1 =	vadd.f32 v1, v2  }
0x176: {  	v20 =	vadd.s32 $0x1198, v19  }
0x177: {  	v21 =	vadd.s32 $0x1, v18;
	v0 =	vadd.f32 v0, v1  }
0x178: {  	v24 =	vld [tilespmem:$0x1B0];
	v22 =	vadd.s32 $0x1199, v19  }
0x179: {  	v23 =	vadd.s32 $0x2, v18;
	v25 =	vld [tilespmem:$0x3B0];
	[tilespmem:$0x31A8] =	vst v0  }
0x17a: {  	v5 =	vadd.s32 $0x119A, v19;
	v3 =	vld.idx.msk [tilespmem:v18+s13+$0x0], $0xffff  }
0x17b: {  	v2 =	vld.idx.msk [tilespmem:v20+s13+$0x0], $0xffff  }
0x17c: {  	v1 =	vld.idx.msk [tilespmem:v21+s13+$0x0], $0xffff  }
0x17d: {  	v4 =	vld.idx.msk [tilespmem:v22+s13+$0x0], $0xffff  }
0x17e: {  	v0 =	vld.idx.msk [tilespmem:v23+s13+$0x0], $0xffff  }
0x17f: {  	v5 =	vld.idx.msk [tilespmem:v5+s13+$0x0], $0xffff;
	_ =	sdelay $0x2  }
0x180: {  	v2 =	vmul.f32 v2, v3;
	v1 =	vmul.f32 v4, v1  }
0x181: {  	v26 =	vmul.u32 $0x3, v24;
	v27 =	vmul.u32 $0x3, v25  }
0x182: {  	v0 =	vmul.f32 v5, v0;
	v1 =	vadd.f32 v1, v2  }
0x183: {  	v28 =	vadd.s32 $0x1198, v27  }
0x184: {  	v29 =	vadd.s32 $0x1, v26;
	v0 =	vadd.f32 v0, v1  }
0x185: {  	v32 =	vld [tilespmem:$0x1C0];
	v30 =	vadd.s32 $0x1199, v27  }
0x186: {  	v31 =	vadd.s32 $0x2, v26;
	v33 =	vld [tilespmem:$0x3C0];
	[tilespmem:$0x31B8] =	vst v0  }
0x187: {  	v4 =	vadd.s32 $0x119A, v27;
	v3 =	vld.idx.msk [tilespmem:v26+s13+$0x0], $0xffff  }
0x188: {  	v2 =	vld.idx.msk [tilespmem:v28+s13+$0x0], $0xffff  }
0x189: {  	v1 =	vld.idx.msk [tilespmem:v29+s13+$0x0], $0xffff  }
0x18a: {  	v5 =	vld.idx.msk [tilespmem:v30+s13+$0x0], $0xffff  }
0x18b: {  	v0 =	vld.idx.msk [tilespmem:v31+s13+$0x0], $0xffff  }
0x18c: {  	v4 =	vld.idx.msk [tilespmem:v4+s13+$0x0], $0xffff;
	_ =	sdelay $0x2  }
0x18d: {  	v2 =	vmul.f32 v2, v3;
	v1 =	vmul.f32 v5, v1  }
0x18e: {  	v34 =	vmul.u32 $0x3, v32;
	v35 =	vmul.u32 $0x3, v33  }
0x18f: {  	v0 =	vmul.f32 v4, v0;
	v1 =	vadd.f32 v1, v2  }
0x190: {  	v36 =	vadd.s32 $0x1198, v35  }
0x191: {  	v37 =	vadd.s32 $0x1, v34;
	v0 =	vadd.f32 v0, v1  }
0x192: {  	v40 =	vld [tilespmem:$0x1D0];
	v38 =	vadd.s32 $0x1199, v35  }
0x193: {  	v39 =	vadd.s32 $0x2, v34;
	v41 =	vld [tilespmem:$0x3D0];
	[tilespmem:$0x31C8] =	vst v0  }
0x194: {  	v5 =	vadd.s32 $0x119A, v35;
	v3 =	vld.idx.msk [tilespmem:v34+s13+$0x0], $0xffff  }
0x195: {  	v2 =	vld.idx.msk [tilespmem:v36+s13+$0x0], $0xffff  }
0x196: {  	v1 =	vld.idx.msk [tilespmem:v37+s13+$0x0], $0xffff  }
0x197: {  	v4 =	vld.idx.msk [tilespmem:v38+s13+$0x0], $0xffff  }
0x198: {  	v0 =	vld.idx.msk [tilespmem:v39+s13+$0x0], $0xffff  }
0x199: {  	v5 =	vld.idx.msk [tilespmem:v5+s13+$0x0], $0xffff;
	_ =	sdelay $0x2  }
0x19a: {  	v2 =	vmul.f32 v2, v3;
	v1 =	vmul.f32 v4, v1  }
0x19b: {  	v42 =	vmul.u32 $0x3, v40;
	v43 =	vmul.u32 $0x3, v41  }
0x19c: {  	v0 =	vmul.f32 v5, v0;
	v1 =	vadd.f32 v1, v2  }
0x19d: {  	v44 =	vadd.s32 $0x1198, v43  }
0x19e: {  	v45 =	vadd.s32 $0x1, v42;
	v0 =	vadd.f32 v0, v1  }
0x19f: {  	v48 =	vld [tilespmem:$0x1E0];
	v46 =	vadd.s32 $0x1199, v43  }
0x1a0: {  	v47 =	vadd.s32 $0x2, v42;
	v49 =	vld [tilespmem:$0x3E0];
	[tilespmem:$0x31D8] =	vst v0  }
0x1a1: {  	v4 =	vadd.s32 $0x119A, v43;
	v3 =	vld.idx.msk [tilespmem:v42+s13+$0x0], $0xffff  }
0x1a2: {  	v2 =	vld.idx.msk [tilespmem:v44+s13+$0x0], $0xffff  }
0x1a3: {  	v1 =	vld.idx.msk [tilespmem:v45+s13+$0x0], $0xffff  }
0x1a4: {  	v5 =	vld.idx.msk [tilespmem:v46+s13+$0x0], $0xffff  }
0x1a5: {  	v0 =	vld.idx.msk [tilespmem:v47+s13+$0x0], $0xffff  }
0x1a6: {  	v4 =	vld.idx.msk [tilespmem:v4+s13+$0x0], $0xffff;
	_ =	sdelay $0x2  }
0x1a7: {  	v2 =	vmul.f32 v2, v3;
	v1 =	vmul.f32 v5, v1  }
0x1a8: {  	v50 =	vmul.u32 $0x3, v48;
	v51 =	vmul.u32 $0x3, v49  }
0x1a9: {  	v0 =	vmul.f32 v4, v0;
	v1 =	vadd.f32 v1, v2  }
0x1aa: {  	v52 =	vadd.s32 $0x1198, v51  }
0x1ab: {  	v53 =	vadd.s32 $0x1, v50;
	v0 =	vadd.f32 v0, v1  }
0x1ac: {  	v56 =	vld [tilespmem:$0x1F0];
	v54 =	vadd.s32 $0x1199, v51  }
0x1ad: {  	v55 =	vadd.s32 $0x2, v50;
	v57 =	vld [tilespmem:$0x3F0];
	[tilespmem:$0x31E8] =	vst v0  }
0x1ae: {  	v5 =	vadd.s32 $0x119A, v51;
	v3 =	vld.idx.msk [tilespmem:v50+s13+$0x0], $0xffff  }
0x1af: {  	v2 =	vld.idx.msk [tilespmem:v52+s13+$0x0], $0xffff  }
0x1b0: {  	v1 =	vld.idx.msk [tilespmem:v53+s13+$0x0], $0xffff  }
0x1b1: {  	v4 =	vld.idx.msk [tilespmem:v54+s13+$0x0], $0xffff  }
0x1b2: {  	v0 =	vld.idx.msk [tilespmem:v55+s13+$0x0], $0xffff  }
0x1b3: {  	v5 =	vld.idx.msk [tilespmem:v5+s13+$0x0], $0xffff;
	_ =	sdelay $0x2  }
0x1b4: {  	v2 =	vmul.f32 v2, v3;
	v1 =	vmul.f32 v4, v1  }
0x1b5: {  	v58 =	vmul.u32 $0x3, v56;
	v59 =	vmul.u32 $0x3, v57  }
0x1b6: {  	v0 =	vmul.f32 v5, v0;
	v1 =	vadd.f32 v1, v2  }
0x1b7: {  	v60 =	vadd.s32 $0x1198, v59  }
0x1b8: {  	v61 =	vadd.s32 $0x1, v58;
	v0 =	vadd.f32 v0, v1  }
0x1b9: {  	v62 =	vadd.s32 $0x1199, v59  }
0x1ba: {  	v63 =	vadd.s32 $0x2, v58;
	[tilespmem:$0x31F8] =	vst v0  }
0x1bb: {  	v4 =	vadd.s32 $0x119A, v59;
	v3 =	vld.idx.msk [tilespmem:v58+s13+$0x0], $0xffff  }
0x1bc: {  	v2 =	vld.idx.msk [tilespmem:v60+s13+$0x0], $0xffff  }
0x1bd: {  	v1 =	vld.idx.msk [tilespmem:v61+s13+$0x0], $0xffff  }
0x1be: {  	v5 =	vld.idx.msk [tilespmem:v62+s13+$0x0], $0xffff  }
0x1bf: {  	v0 =	vld.idx.msk [tilespmem:v63+s13+$0x0], $0xffff  }
0x1c0: {  	v4 =	vld.idx.msk [tilespmem:v4+s13+$0x0], $0xffff;
	_ =	sdelay $0x2  }
0x1c1: {  	v2 =	vmul.f32 v2, v3;
	v1 =	vmul.f32 v5, v1;
	_ =	sdelay $0x1  }
0x1c2: {  	v0 =	vmul.f32 v4, v0;
	v1 =	vadd.f32 v1, v2;
	_ =	sdelay $0x1  }
0x1c3: {  	v0 =	vadd.f32 v0, v1  }
0x1c4: {  	p0 =	sne.s32 s9, $0x1  }
.Ltmp0:
0x1c5: {  	[tilespmem:$0x3208] =	vst v0;
	(pc) =	sbr.rel @p0 .LBB2_1-.Ltmp0, $4  }
0x1c6: {  	[hbm4b:s8+s3] =	stream.linear.scatter [tilespmem:s15], [sflag:$0x2], $0x200, $0x38;
	[tilespmem:$0x3218] =	vst v63  }
0x1c7: {  	_ =	swait.ge [sflag:s12], $0x200  }
0x1c8: {  	[sflag:s12] =	ssyncset.done $0x0  }
0x1c9: {  	s9 =	sadd.s32 $0xFFFFFFFF, s9;
	[sflag:s12] =	ssyncadd.s32 $0xFFFFFE00  }
0x1ca: {  	_ =	sfence.sel $0x180000  }
0x1cb: {  	[bflag:$0x0] =	sbarrier.arrive $0xFFFF  }
0x1cc: {  	p0 =	sne.s32 s2, $0x0;
	_ =	strace $0x90000047  }
0x1cd: {  	s0 =	sadd.s32 @!p0 $0x100000, s0;
	[bflag:$0x2] =	sbarrier.arrive $0xFFFF  }
0x1ce: {  	[sflag:s0] =	ssyncadd.tile.s32 @!p0 $0x1;
	_ =	shalt  }
.Lfunc_end2:
_tile_overlayer_lowered:
.L_overlay_start_2:
0x1cf: {  	(tag) =	ssettag $0x2  }
0x1d0: {  	s0 =	rddreg [dreg:$0x0];
	s2 =	stileid.u32  }
0x1d1: {  	s1 =	rddreg [dreg:$0x1];
	p0 =	sne.s32 s2, $0x0  }
0x1d2: {  	s3 =	rddreg [dreg:$0x2];
	[bflag:$0x3] =	sbarrier.arrive $0xFFFF;
	s2 =	simm.s32 @!p0 $0x1C02  }
0x1d3: {  	[timem:s3], [sflag:s2] =	dma.local @!p0 [hbm:s0], s1  }
0x1d4: {  	s0 =	simm.s32 @!p0 $0x2  }
0x1d5: {  	_ =	swait.ge @!p0 [sflag:s0], s1  }
0x1d6: {  	s1 =	ssub.s32 @!p0 $0x0, s1;
	[sflag:s0] =	ssyncset.done @!p0 $0x0  }
0x1d7: {  	[sflag:s0] =	ssyncadd.s32 @!p0 s1  }
0x1d8: {  	[bflag:$0x3] =	sbarrier.arrive $0xFFFF  }
0x1d9: {  	_ =	shalt  }

</sc_bundles>
